<compile_context>
chip_gen: v7x
topology: tpu7x:2x2x1
jax: 0.10.2.dev20260603
libtpu: 0.0.44.dev20260713+nightly
codegen_flags: <defaults>
</compile_context>

<pallas_src>
import functools

import jax
import jax.numpy as jnp
from jax import lax
from jax.experimental import pallas as pl
from jax.experimental.pallas import tpu as pltpu
from jax.experimental.pallas import tpu_sc as plsc

NC = 2
NS = 16
NW = NC * NS
CHUNK = 128
NBUF = 2


def _dist_chunk(buf_a, buf_b, out_b, ncoord, nconf):
  nhalf = nconf // 16

  @plsc.parallel_loop(0, CHUNK, 1, unroll=4)
  def _(e):
    for h in range(nhalf):
      acc = None
      for k in range(ncoord):
        a = buf_a[e, pl.ds(k * nconf + h * 16, 16)]
        b = buf_b[e, pl.ds(k * nconf + h * 16, 16)]
        d = a - b
        acc = d * d if acc is None else acc + d * d
      half = acc * 0.5
      i = lax.bitcast_convert_type(acc, jnp.int32)
      i = jnp.int32(0x5F3759DF) - (i >> 1)
      r = lax.bitcast_convert_type(i, jnp.float32)
      r = r * (1.5 - (half * r) * r)
      out_b[pl.ds(e * nconf + h * 16, 16)] = acc * r


@functools.partial(
    jax.jit, static_argnames=("n_edges", "n_chunks", "ncoord", "nconf"))
def _sc_distances(table, idx_a_h, idx_b_h, *, n_edges, n_chunks, ncoord,
                  nconf):
  d = 128
  mesh = plsc.VectorSubcoreMesh(core_axis_name="c", subcore_axis_name="s")
  last_start = n_edges - CHUNK
  slab = n_chunks * CHUNK

  @functools.partial(
      pl.kernel,
      out_type=jax.ShapeDtypeStruct((n_edges * nconf,), jnp.float32),
      mesh=mesh,
      compiler_params=pltpu.CompilerParams(
          use_tc_tiling_on_sc=True, needs_layout_passes=False),
      scratch_types=[
          [pltpu.VMEM((slab,), jnp.int32)] * 2,
          [pltpu.VMEM((CHUNK,), jnp.int32)] * (NBUF * 2),
          [pltpu.VMEM((CHUNK, d), jnp.float32)] * NBUF,
          [pltpu.VMEM((CHUNK, d), jnp.float32)] * NBUF,
          [pltpu.VMEM((CHUNK * nconf,), jnp.float32)] * NBUF,
          [pltpu.SemaphoreType.DMA] * NBUF,
          [pltpu.SemaphoreType.DMA] * NBUF,
          [pltpu.SemaphoreType.DMA] * NBUF,
      ],
  )
  def run(table_h, idx_a_hh, idx_b_hh, out_h, slab_v, idx_st, buf_a, buf_b,
          out_v, sem_a, sem_b, sem_o):
    wid = lax.axis_index("s") * NC + lax.axis_index("c")
    wbase = wid * slab

    def start(j):
      return jnp.minimum(wbase + j * CHUNK, last_start)

    pltpu.sync_copy(idx_a_hh.at[pl.ds(wbase, slab)], slab_v[0])
    pltpu.sync_copy(idx_b_hh.at[pl.ds(wbase, slab)], slab_v[1])

    def deint(j, s):
      base = start(j) - wbase
      lanes = lax.iota(jnp.int32, 16)
      for half in range(CHUNK // 16):
        flat = base + half * 16 + lanes
        idx_st[2 * s][pl.ds(half * 16, 16)] = plsc.load_gather(
            slab_v[0], [flat])
        idx_st[2 * s + 1][pl.ds(half * 16, 16)] = plsc.load_gather(
            slab_v[1], [flat])

    def fire_gather(s):
      pltpu.async_copy(
          table_h.at[idx_st[2 * s]], buf_a[s], sem_a[s])
      pltpu.async_copy(
          table_h.at[idx_st[2 * s + 1]], buf_b[s], sem_b[s])

    def wait_gather(s):
      pltpu.make_async_copy(
          table_h.at[idx_st[2 * s]], buf_a[s], sem_a[s]).wait()
      pltpu.make_async_copy(
          table_h.at[idx_st[2 * s + 1]], buf_b[s], sem_b[s]).wait()

    def fire_out(j, s):
      pltpu.async_copy(
          out_v[s], out_h.at[pl.ds(start(j) * nconf, CHUNK * nconf)],
          sem_o[s])

    def wait_out(j, s):
      pltpu.make_async_copy(
          out_v[s], out_h.at[pl.ds(start(j) * nconf, CHUNK * nconf)],
          sem_o[s]).wait()

    deint(0, 0)
    fire_gather(0)

    @pl.loop(0, n_chunks, step=NBUF)
    def _(j0):
      for b in range(NBUF):
        j = j0 + b
        nxt = 1 - b

        @pl.when(j + 1 < n_chunks)
        def _():
          deint(j + 1, nxt)
          fire_gather(nxt)

        wait_gather(b)

        @pl.when(j >= NBUF)
        def _():
          wait_out(j, b)

        _dist_chunk(buf_a[b], buf_b[b], out_v[b], ncoord, nconf)
        fire_out(j, b)

    for b in range(NBUF):
      wait_out(n_chunks - NBUF + b, b)

  return run(table, idx_a_h, idx_b_h)


def kernel(geoms, bonds):
  n_atoms, ncoord, nconf = geoms.shape
  table = jnp.pad(
      geoms.reshape(n_atoms, ncoord * nconf),
      ((0, 0), (0, 128 - ncoord * nconf)))
  n_edges = bonds.shape[0]
  bonds = bonds.astype(jnp.int32)

  n_chunks = -(-n_edges // (NW * CHUNK))
  n_chunks += (-n_chunks) % NBUF

  pad_e = NW * n_chunks * CHUNK - n_edges
  idx_a = jnp.pad(bonds[:, 0], (0, pad_e))
  idx_b = jnp.pad(bonds[:, 1], (0, pad_e))

  out = _sc_distances(
      table, idx_a, idx_b, n_edges=n_edges, n_chunks=n_chunks, ncoord=ncoord,
      nconf=nconf)
  return out.reshape(n_edges, nconf)

# --- scband reference (transcript-rebuilt; emitter-appended) ---
"""Pipeline reference for scband-nbdistances-sparse-58574763983734 (READ-ONLY COPY).

The authoritative reference and input builder live on the scoring server;
editing this copy changes nothing except your own understanding.
"""

import jax, jax.numpy as jnp
import numpy as np

ALL_ATOMS = 50000
DENSITY = 4
N_CONF = 32


def _nextprime(n):
    def _is_prime(m):
        if m < 2:
            return False
        i = 2
        while i * i <= m:
            if m % i == 0:
                return False
            i += 1
        return True
    m = n + 1
    while not _is_prime(m):
        m += 1
    return m


def _chordal_cycle_multigraph_edges(p):
    # Faithful pure-python replica of networkx.chordal_cycle_graph(p) as a
    # MultiGraph, followed by removal of self-loop edges, then edge iteration
    # in the same order networkx EdgeView would yield them.
    adj = {}  # node -> {nbr -> multiplicity}, insertion-ordered like nx

    def add_edge(u, v):
        if u not in adj:
            adj[u] = {}
        if v not in adj:
            adj[v] = {}
        adj[u][v] = adj[u].get(v, 0) + 1
        if u != v:
            adj[v][u] = adj[v].get(u, 0) + 1

    for x in range(p):
        left = (x - 1) % p
        right = (x + 1) % p
        chord = pow(x, p - 2, p) if x > 0 else 0
        add_edge(x, left)
        add_edge(x, right)
        add_edge(x, chord)

    # remove self loops (all keys)
    for n in adj:
        if n in adj[n]:
            del adj[n][n]

    # iterate edges exactly like networkx MultiGraph.edges()
    edges = []
    seen = set()
    for n in adj:
        for nbr, cnt in adj[n].items():
            if nbr not in seen:
                edges.extend([(n, nbr)] * cnt)
        seen.add(n)
    return edges


def _build_edges(all_atoms, density, atoms=None):
    if atoms is None:
        atoms = list(range(all_atoms))
    used_atoms = len(atoms)
    p = _nextprime(used_atoms)
    assert 1 <= density < p
    edges = []
    for i in range(1, density + 1):
        base = _chordal_cycle_multigraph_edges(p)
        edges += [(a * i % p, b * i % p) for a, b in base]
    E = np.array(list(set(filter(lambda q: q[0] != q[1], [tuple(sorted([min(a, used_atoms - 1), min(b, used_atoms - 1)])) for a, b in edges]))))
    E = np.array([(atoms[a], atoms[b]) for a, b in E], dtype=np.int64)
    return E


def setup_inputs(seed: int = 0) -> dict:
    key = jax.random.key(seed)
    geoms = jax.random.normal(key, (ALL_ATOMS, 3, N_CONF), dtype=jnp.float32) * 3.0
    bonds = jnp.asarray(_build_edges(ALL_ATOMS, DENSITY))  # int64 [E, 2]
    return {"geoms": geoms, "bonds": bonds}


def reference(geoms, bonds):
    # diffs = geoms[bonds[:,0]] - geoms[bonds[:,1]]  -> [E, 3, n_conf]
    diffs = jnp.take(geoms, bonds[:, 0], axis=0) - jnp.take(geoms, bonds[:, 1], axis=0)
    # _norm_axis_1: sqrt(sum(x*x, dim=1)) -> [E, n_conf]
    return jnp.sqrt(jnp.sum(diffs * diffs, axis=1))

if __name__ == "__main__":
    import jax
    _d = setup_inputs()
    print(jax.jit(kernel)(*tuple(_d.values())))

</pallas_src>

<mosaic_0001>
#map = affine_map<(d0, d1) -> (0, 0)>
#map1 = affine_map<(d0, d1) -> (0)>
module attributes {stable_mosaic.version = 14 : i64} {
  func.func @run(%arg0: i32, %arg1: i32, %arg2: memref<50000x128xf32, #tpu.memory_space<hbm>>, %arg3: memref<303104xi32, #tpu.memory_space<hbm>>, %arg4: memref<303104xi32, #tpu.memory_space<hbm>>, %arg5: memref<9599936xf32, #tpu.memory_space<hbm>>, %arg6: memref<9472xi32, #tpu.memory_space<vmem>>, %arg7: memref<9472xi32, #tpu.memory_space<vmem>>, %arg8: memref<128xi32, #tpu.memory_space<vmem>>, %arg9: memref<128xi32, #tpu.memory_space<vmem>>, %arg10: memref<128xi32, #tpu.memory_space<vmem>>, %arg11: memref<128xi32, #tpu.memory_space<vmem>>, %arg12: memref<128x128xf32, #tpu.memory_space<vmem>>, %arg13: memref<128x128xf32, #tpu.memory_space<vmem>>, %arg14: memref<128x128xf32, #tpu.memory_space<vmem>>, %arg15: memref<128x128xf32, #tpu.memory_space<vmem>>, %arg16: memref<4096xf32, #tpu.memory_space<vmem>>, %arg17: memref<4096xf32, #tpu.memory_space<vmem>>, %arg18: memref<!tpu.dma_semaphore, #tpu.memory_space<semaphore_mem>>, %arg19: memref<!tpu.dma_semaphore, #tpu.memory_space<semaphore_mem>>, %arg20: memref<!tpu.dma_semaphore, #tpu.memory_space<semaphore_mem>>, %arg21: memref<!tpu.dma_semaphore, #tpu.memory_space<semaphore_mem>>, %arg22: memref<!tpu.dma_semaphore, #tpu.memory_space<semaphore_mem>>, %arg23: memref<!tpu.dma_semaphore, #tpu.memory_space<semaphore_mem>>) attributes {dimension_semantics = [#tpu.dimension_semantics<core_parallel>, #tpu.dimension_semantics<subcore_parallel>], iteration_bounds = array<i64: 2, 16>, scalar_prefetch = 0 : i64, scratch_operands = 18 : i64, tpu.core_type = #tpu.core_type<sc_vector_subcore>, window_params = [{transform_indices = #map}, {transform_indices = #map1}, {transform_indices = #map1}, {transform_indices = #map1}]} {
    %mul3A = arith.constant 2 : i32
    %mul3A_0 = arith.muli %arg1, %mul3A : i32
    %add3A = arith.addi %mul3A_0, %arg0 : i32
    %mul3A_1 = arith.constant 9472 : i32
    %mul3A_2 = arith.muli %add3A, %mul3A_1 : i32
    "tpu.region"() ({
      %run_scoped3A = tpu.sem_alloc : memref<!tpu.dma_semaphore, #tpu.memory_space<semaphore_mem>>
      %dma_start3A_108 = tpu.memref_slice %arg3[%mul3A_2] : memref<303104xi32, #tpu.memory_space<hbm>> -> memref<9472xi32, #tpu.memory_space<hbm>>
      %dma_start3A_109 = tpu.memref_slice %arg3[%mul3A_2] : memref<303104xi32, #tpu.memory_space<hbm>> -> memref<9472xi32, #tpu.memory_space<hbm>>
      tpu.enqueue_dma source(%dma_start3A_109 : memref<9472xi32, #tpu.memory_space<hbm>>) target(%arg6 : memref<9472xi32, #tpu.memory_space<vmem>>) target_semaphore(%run_scoped3A : memref<!tpu.dma_semaphore, #tpu.memory_space<semaphore_mem>>)
      %dma_wait3A_110 = tpu.memref_slice %arg3[%mul3A_2] : memref<303104xi32, #tpu.memory_space<hbm>> -> memref<9472xi32, #tpu.memory_space<hbm>>
      %dma_wait3A_111 = tpu.memref_slice %arg3[%mul3A_2] : memref<303104xi32, #tpu.memory_space<hbm>> -> memref<9472xi32, #tpu.memory_space<hbm>>
      tpu.wait_dma2 semaphore(%run_scoped3A : memref<!tpu.dma_semaphore, #tpu.memory_space<semaphore_mem>>) src(%dma_wait3A_111 : memref<9472xi32, #tpu.memory_space<hbm>>) dst(%arg6 : memref<9472xi32, #tpu.memory_space<vmem>>)
      tpu.yield
    }) : () -> ()
    "tpu.region"() ({
      %run_scoped3A = tpu.sem_alloc : memref<!tpu.dma_semaphore, #tpu.memory_space<semaphore_mem>>
      %dma_start3A_108 = tpu.memref_slice %arg4[%mul3A_2] : memref<303104xi32, #tpu.memory_space<hbm>> -> memref<9472xi32, #tpu.memory_space<hbm>>
      %dma_start3A_109 = tpu.memref_slice %arg4[%mul3A_2] : memref<303104xi32, #tpu.memory_space<hbm>> -> memref<9472xi32, #tpu.memory_space<hbm>>
      tpu.enqueue_dma source(%dma_start3A_109 : memref<9472xi32, #tpu.memory_space<hbm>>) target(%arg7 : memref<9472xi32, #tpu.memory_space<vmem>>) target_semaphore(%run_scoped3A : memref<!tpu.dma_semaphore, #tpu.memory_space<semaphore_mem>>)
      %dma_wait3A_110 = tpu.memref_slice %arg4[%mul3A_2] : memref<303104xi32, #tpu.memory_space<hbm>> -> memref<9472xi32, #tpu.memory_space<hbm>>
      %dma_wait3A_111 = tpu.memref_slice %arg4[%mul3A_2] : memref<303104xi32, #tpu.memory_space<hbm>> -> memref<9472xi32, #tpu.memory_space<hbm>>
      tpu.wait_dma2 semaphore(%run_scoped3A : memref<!tpu.dma_semaphore, #tpu.memory_space<semaphore_mem>>) src(%dma_wait3A_111 : memref<9472xi32, #tpu.memory_space<hbm>>) dst(%arg7 : memref<9472xi32, #tpu.memory_space<vmem>>)
      tpu.yield
    }) : () -> ()
    %add3A_3 = arith.constant 0 : i32
    %add3A_4 = arith.addi %mul3A_2, %add3A_3 : i32
    %min3A = arith.constant 299870 : i32
    %min3A_5 = arith.minsi %add3A_4, %min3A : i32
    %sub3A = arith.subi %min3A_5, %mul3A_2 : i32
    %iota3A = tpu.iota {dimensions = array<i32: 0>} : vector<16xi32>
    %add3A_6 = arith.constant 0 : i32
    %add3A_7 = arith.addi %sub3A, %add3A_6 : i32
    %add3A_8 = vector.broadcast %add3A_7 : i32 to vector<16xi32>
    %add3A_9 = arith.addi %add3A_8, %iota3A : vector<16xi32>
    %gather3A = tpu.vector_load_idx %arg6[%add3A_9] : memref<9472xi32, #tpu.memory_space<vmem>>[vector<16xi32>], vector<16xi32>,
    %swap3A = arith.constant 0 : index
    %swap3A_10 = tpu.vector_load %arg8[%swap3A] {strides = array<i32>} : memref<128xi32, #tpu.memory_space<vmem>>, vector<16xi32>,
    tpu.vector_store %arg8[%swap3A], %gather3A {strides = array<i32>} : memref<128xi32, #tpu.memory_space<vmem>>, vector<16xi32>,
    %gather3A_11 = tpu.vector_load_idx %arg7[%add3A_9] : memref<9472xi32, #tpu.memory_space<vmem>>[vector<16xi32>], vector<16xi32>,
    %swap3A_12 = arith.constant 0 : index
    %swap3A_13 = tpu.vector_load %arg9[%swap3A_12] {strides = array<i32>} : memref<128xi32, #tpu.memory_space<vmem>>, vector<16xi32>,
    tpu.vector_store %arg9[%swap3A_12], %gather3A_11 {strides = array<i32>} : memref<128xi32, #tpu.memory_space<vmem>>, vector<16xi32>,
    %add3A_14 = arith.constant 16 : i32
    %add3A_15 = arith.addi %sub3A, %add3A_14 : i32
    %add3A_16 = vector.broadcast %add3A_15 : i32 to vector<16xi32>
    %add3A_17 = arith.addi %add3A_16, %iota3A : vector<16xi32>
    %gather3A_18 = tpu.vector_load_idx %arg6[%add3A_17] : memref<9472xi32, #tpu.memory_space<vmem>>[vector<16xi32>], vector<16xi32>,
    %swap3A_19 = arith.constant 16 : index
    %swap3A_20 = tpu.vector_load %arg8[%swap3A_19] {strides = array<i32>} : memref<128xi32, #tpu.memory_space<vmem>>, vector<16xi32>,
    tpu.vector_store %arg8[%swap3A_19], %gather3A_18 {strides = array<i32>} : memref<128xi32, #tpu.memory_space<vmem>>, vector<16xi32>,
    %gather3A_21 = tpu.vector_load_idx %arg7[%add3A_17] : memref<9472xi32, #tpu.memory_space<vmem>>[vector<16xi32>], vector<16xi32>,
    %swap3A_22 = arith.constant 16 : index
    %swap3A_23 = tpu.vector_load %arg9[%swap3A_22] {strides = array<i32>} : memref<128xi32, #tpu.memory_space<vmem>>, vector<16xi32>,
    tpu.vector_store %arg9[%swap3A_22], %gather3A_21 {strides = array<i32>} : memref<128xi32, #tpu.memory_space<vmem>>, vector<16xi32>,
    %add3A_24 = arith.constant 32 : i32
    %add3A_25 = arith.addi %sub3A, %add3A_24 : i32
    %add3A_26 = vector.broadcast %add3A_25 : i32 to vector<16xi32>
    %add3A_27 = arith.addi %add3A_26, %iota3A : vector<16xi32>
    %gather3A_28 = tpu.vector_load_idx %arg6[%add3A_27] : memref<9472xi32, #tpu.memory_space<vmem>>[vector<16xi32>], vector<16xi32>,
    %swap3A_29 = arith.constant 32 : index
    %swap3A_30 = tpu.vector_load %arg8[%swap3A_29] {strides = array<i32>} : memref<128xi32, #tpu.memory_space<vmem>>, vector<16xi32>,
    tpu.vector_store %arg8[%swap3A_29], %gather3A_28 {strides = array<i32>} : memref<128xi32, #tpu.memory_space<vmem>>, vector<16xi32>,
    %gather3A_31 = tpu.vector_load_idx %arg7[%add3A_27] : memref<9472xi32, #tpu.memory_space<vmem>>[vector<16xi32>], vector<16xi32>,
    %swap3A_32 = arith.constant 32 : index
    %swap3A_33 = tpu.vector_load %arg9[%swap3A_32] {strides = array<i32>} : memref<128xi32, #tpu.memory_space<vmem>>, vector<16xi32>,
    tpu.vector_store %arg9[%swap3A_32], %gather3A_31 {strides = array<i32>} : memref<128xi32, #tpu.memory_space<vmem>>, vector<16xi32>,
    %add3A_34 = arith.constant 48 : i32
    %add3A_35 = arith.addi %sub3A, %add3A_34 : i32
    %add3A_36 = vector.broadcast %add3A_35 : i32 to vector<16xi32>
    %add3A_37 = arith.addi %add3A_36, %iota3A : vector<16xi32>
    %gather3A_38 = tpu.vector_load_idx %arg6[%add3A_37] : memref<9472xi32, #tpu.memory_space<vmem>>[vector<16xi32>], vector<16xi32>,
    %swap3A_39 = arith.constant 48 : index
    %swap3A_40 = tpu.vector_load %arg8[%swap3A_39] {strides = array<i32>} : memref<128xi32, #tpu.memory_space<vmem>>, vector<16xi32>,
    tpu.vector_store %arg8[%swap3A_39], %gather3A_38 {strides = array<i32>} : memref<128xi32, #tpu.memory_space<vmem>>, vector<16xi32>,
    %gather3A_41 = tpu.vector_load_idx %arg7[%add3A_37] : memref<9472xi32, #tpu.memory_space<vmem>>[vector<16xi32>], vector<16xi32>,
    %swap3A_42 = arith.constant 48 : index
    %swap3A_43 = tpu.vector_load %arg9[%swap3A_42] {strides = array<i32>} : memref<128xi32, #tpu.memory_space<vmem>>, vector<16xi32>,
    tpu.vector_store %arg9[%swap3A_42], %gather3A_41 {strides = array<i32>} : memref<128xi32, #tpu.memory_space<vmem>>, vector<16xi32>,
    %add3A_44 = arith.constant 64 : i32
    %add3A_45 = arith.addi %sub3A, %add3A_44 : i32
    %add3A_46 = vector.broadcast %add3A_45 : i32 to vector<16xi32>
    %add3A_47 = arith.addi %add3A_46, %iota3A : vector<16xi32>
    %gather3A_48 = tpu.vector_load_idx %arg6[%add3A_47] : memref<9472xi32, #tpu.memory_space<vmem>>[vector<16xi32>], vector<16xi32>,
    %swap3A_49 = arith.constant 64 : index
    %swap3A_50 = tpu.vector_load %arg8[%swap3A_49] {strides = array<i32>} : memref<128xi32, #tpu.memory_space<vmem>>, vector<16xi32>,
    tpu.vector_store %arg8[%swap3A_49], %gather3A_48 {strides = array<i32>} : memref<128xi32, #tpu.memory_space<vmem>>, vector<16xi32>,
    %gather3A_51 = tpu.vector_load_idx %arg7[%add3A_47] : memref<9472xi32, #tpu.memory_space<vmem>>[vector<16xi32>], vector<16xi32>,
    %swap3A_52 = arith.constant 64 : index
    %swap3A_53 = tpu.vector_load %arg9[%swap3A_52] {strides = array<i32>} : memref<128xi32, #tpu.memory_space<vmem>>, vector<16xi32>,
    tpu.vector_store %arg9[%swap3A_52], %gather3A_51 {strides = array<i32>} : memref<128xi32, #tpu.memory_space<vmem>>, vector<16xi32>,
    %add3A_54 = arith.constant 80 : i32
    %add3A_55 = arith.addi %sub3A, %add3A_54 : i32
    %add3A_56 = vector.broadcast %add3A_55 : i32 to vector<16xi32>
    %add3A_57 = arith.addi %add3A_56, %iota3A : vector<16xi32>
    %gather3A_58 = tpu.vector_load_idx %arg6[%add3A_57] : memref<9472xi32, #tpu.memory_space<vmem>>[vector<16xi32>], vector<16xi32>,
    %swap3A_59 = arith.constant 80 : index
    %swap3A_60 = tpu.vector_load %arg8[%swap3A_59] {strides = array<i32>} : memref<128xi32, #tpu.memory_space<vmem>>, vector<16xi32>,
    tpu.vector_store %arg8[%swap3A_59], %gather3A_58 {strides = array<i32>} : memref<128xi32, #tpu.memory_space<vmem>>, vector<16xi32>,
    %gather3A_61 = tpu.vector_load_idx %arg7[%add3A_57] : memref<9472xi32, #tpu.memory_space<vmem>>[vector<16xi32>], vector<16xi32>,
    %swap3A_62 = arith.constant 80 : index
    %swap3A_63 = tpu.vector_load %arg9[%swap3A_62] {strides = array<i32>} : memref<128xi32, #tpu.memory_space<vmem>>, vector<16xi32>,
    tpu.vector_store %arg9[%swap3A_62], %gather3A_61 {strides = array<i32>} : memref<128xi32, #tpu.memory_space<vmem>>, vector<16xi32>,
    %add3A_64 = arith.constant 96 : i32
    %add3A_65 = arith.addi %sub3A, %add3A_64 : i32
    %add3A_66 = vector.broadcast %add3A_65 : i32 to vector<16xi32>
    %add3A_67 = arith.addi %add3A_66, %iota3A : vector<16xi32>
    %gather3A_68 = tpu.vector_load_idx %arg6[%add3A_67] : memref<9472xi32, #tpu.memory_space<vmem>>[vector<16xi32>], vector<16xi32>,
    %swap3A_69 = arith.constant 96 : index
    %swap3A_70 = tpu.vector_load %arg8[%swap3A_69] {strides = array<i32>} : memref<128xi32, #tpu.memory_space<vmem>>, vector<16xi32>,
    tpu.vector_store %arg8[%swap3A_69], %gather3A_68 {strides = array<i32>} : memref<128xi32, #tpu.memory_space<vmem>>, vector<16xi32>,
    %gather3A_71 = tpu.vector_load_idx %arg7[%add3A_67] : memref<9472xi32, #tpu.memory_space<vmem>>[vector<16xi32>], vector<16xi32>,
    %swap3A_72 = arith.constant 96 : index
    %swap3A_73 = tpu.vector_load %arg9[%swap3A_72] {strides = array<i32>} : memref<128xi32, #tpu.memory_space<vmem>>, vector<16xi32>,
    tpu.vector_store %arg9[%swap3A_72], %gather3A_71 {strides = array<i32>} : memref<128xi32, #tpu.memory_space<vmem>>, vector<16xi32>,
    %add3A_74 = arith.constant 112 : i32
    %add3A_75 = arith.addi %sub3A, %add3A_74 : i32
    %add3A_76 = vector.broadcast %add3A_75 : i32 to vector<16xi32>
    %add3A_77 = arith.addi %add3A_76, %iota3A : vector<16xi32>
    %gather3A_78 = tpu.vector_load_idx %arg6[%add3A_77] : memref<9472xi32, #tpu.memory_space<vmem>>[vector<16xi32>], vector<16xi32>,
    %swap3A_79 = arith.constant 112 : index
    %swap3A_80 = tpu.vector_load %arg8[%swap3A_79] {strides = array<i32>} : memref<128xi32, #tpu.memory_space<vmem>>, vector<16xi32>,
    tpu.vector_store %arg8[%swap3A_79], %gather3A_78 {strides = array<i32>} : memref<128xi32, #tpu.memory_space<vmem>>, vector<16xi32>,
    %gather3A_81 = tpu.vector_load_idx %arg7[%add3A_77] : memref<9472xi32, #tpu.memory_space<vmem>>[vector<16xi32>], vector<16xi32>,
    %swap3A_82 = arith.constant 112 : index
    %swap3A_83 = tpu.vector_load %arg9[%swap3A_82] {strides = array<i32>} : memref<128xi32, #tpu.memory_space<vmem>>, vector<16xi32>,
    tpu.vector_store %arg9[%swap3A_82], %gather3A_81 {strides = array<i32>} : memref<128xi32, #tpu.memory_space<vmem>>, vector<16xi32>,
    %dma_start3A = arith.constant 0 : i32
    %dma_start3A_84 = arith.constant 0 : i32
    %dma_start3A_85 = tpu.memref_slice %arg2[%dma_start3A, %dma_start3A_84] : memref<50000x128xf32, #tpu.memory_space<hbm>> -> memref<50000x128xf32, #tpu.memory_space<hbm>>
    tpu.enqueue_indirect_dma source(%dma_start3A_85 : memref<50000x128xf32, #tpu.memory_space<hbm>>) target(%arg12 : memref<128x128xf32, #tpu.memory_space<vmem>>) offsets(%arg8 : memref<128xi32, #tpu.memory_space<vmem>>) semaphore(%arg18 : memref<!tpu.dma_semaphore, #tpu.memory_space<semaphore_mem>>)
    %dma_start3A_86 = arith.constant 0 : i32
    %dma_start3A_87 = arith.constant 0 : i32
    %dma_start3A_88 = tpu.memref_slice %arg2[%dma_start3A_86, %dma_start3A_87] : memref<50000x128xf32, #tpu.memory_space<hbm>> -> memref<50000x128xf32, #tpu.memory_space<hbm>>
    tpu.enqueue_indirect_dma source(%dma_start3A_88 : memref<50000x128xf32, #tpu.memory_space<hbm>>) target(%arg14 : memref<128x128xf32, #tpu.memory_space<vmem>>) offsets(%arg9 : memref<128xi32, #tpu.memory_space<vmem>>) semaphore(%arg20 : memref<!tpu.dma_semaphore, #tpu.memory_space<semaphore_mem>>)
    %scan3A = arith.constant 0 : i32
    %scan3A_89 = arith.constant 37 : i32
    %scan3A_90 = arith.addi %scan3A, %scan3A_89 : i32
    %scan3A_91 = arith.constant 1 : i32
    scf.for %scan3A_108 = %scan3A to %scan3A_90 step %scan3A_91  : i32 {
      %mul3A_109 = arith.constant 2 : i32
      %mul3A_110 = arith.muli %scan3A_108, %mul3A_109 : i32
      %add3A_111 = arith.constant 0 : i32
      %add3A_112 = arith.addi %add3A_111, %mul3A_110 : i32
      %add3A_113 = arith.constant 0 : i32
      %add3A_114 = arith.addi %add3A_112, %add3A_113 : i32
      %add3A_115 = arith.constant 1 : i32
      %add3A_116 = arith.addi %add3A_114, %add3A_115 : i32
      %lt3A = arith.constant 74 : i32
      %lt3A_117 = arith.cmpi slt, %add3A_116, %lt3A : i32
      %convert_element_type3A = arith.extui %lt3A_117 : i1 to i32
      %cond3A = arith.constant 0 : i32
      %cond3A_118 = arith.cmpi ne, %convert_element_type3A, %cond3A : i32
      scf.if %cond3A_118 {
        %add3A_172 = arith.constant 1 : i32
        %add3A_173 = arith.addi %add3A_114, %add3A_172 : i32
        %mul3A_174 = arith.constant 128 : i32
        %mul3A_175 = arith.muli %add3A_173, %mul3A_174 : i32
        %add3A_176 = arith.addi %mul3A_2, %mul3A_175 : i32
        %min3A_177 = arith.constant 299870 : i32
        %min3A_178 = arith.minsi %add3A_176, %min3A_177 : i32
        %sub3A_179 = arith.subi %min3A_178, %mul3A_2 : i32
        %iota3A_180 = tpu.iota {dimensions = array<i32: 0>} : vector<16xi32>
        %add3A_181 = arith.constant 0 : i32
        %add3A_182 = arith.addi %sub3A_179, %add3A_181 : i32
        %add3A_183 = vector.broadcast %add3A_182 : i32 to vector<16xi32>
        %add3A_184 = arith.addi %add3A_183, %iota3A_180 : vector<16xi32>
        %gather3A_185 = tpu.vector_load_idx %arg6[%add3A_184] : memref<9472xi32, #tpu.memory_space<vmem>>[vector<16xi32>], vector<16xi32>,
        %swap3A_186 = arith.constant 0 : index
        %swap3A_187 = tpu.vector_load %arg10[%swap3A_186] {strides = array<i32>} : memref<128xi32, #tpu.memory_space<vmem>>, vector<16xi32>,
        tpu.vector_store %arg10[%swap3A_186], %gather3A_185 {strides = array<i32>} : memref<128xi32, #tpu.memory_space<vmem>>, vector<16xi32>,
        %gather3A_188 = tpu.vector_load_idx %arg7[%add3A_184] : memref<9472xi32, #tpu.memory_space<vmem>>[vector<16xi32>], vector<16xi32>,
        %swap3A_189 = arith.constant 0 : index
        %swap3A_190 = tpu.vector_load %arg11[%swap3A_189] {strides = array<i32>} : memref<128xi32, #tpu.memory_space<vmem>>, vector<16xi32>,
        tpu.vector_store %arg11[%swap3A_189], %gather3A_188 {strides = array<i32>} : memref<128xi32, #tpu.memory_space<vmem>>, vector<16xi32>,
        %add3A_191 = arith.constant 16 : i32
        %add3A_192 = arith.addi %sub3A_179, %add3A_191 : i32
        %add3A_193 = vector.broadcast %add3A_192 : i32 to vector<16xi32>
        %add3A_194 = arith.addi %add3A_193, %iota3A_180 : vector<16xi32>
        %gather3A_195 = tpu.vector_load_idx %arg6[%add3A_194] : memref<9472xi32, #tpu.memory_space<vmem>>[vector<16xi32>], vector<16xi32>,
        %swap3A_196 = arith.constant 16 : index
        %swap3A_197 = tpu.vector_load %arg10[%swap3A_196] {strides = array<i32>} : memref<128xi32, #tpu.memory_space<vmem>>, vector<16xi32>,
        tpu.vector_store %arg10[%swap3A_196], %gather3A_195 {strides = array<i32>} : memref<128xi32, #tpu.memory_space<vmem>>, vector<16xi32>,
        %gather3A_198 = tpu.vector_load_idx %arg7[%add3A_194] : memref<9472xi32, #tpu.memory_space<vmem>>[vector<16xi32>], vector<16xi32>,
        %swap3A_199 = arith.constant 16 : index
        %swap3A_200 = tpu.vector_load %arg11[%swap3A_199] {strides = array<i32>} : memref<128xi32, #tpu.memory_space<vmem>>, vector<16xi32>,
        tpu.vector_store %arg11[%swap3A_199], %gather3A_198 {strides = array<i32>} : memref<128xi32, #tpu.memory_space<vmem>>, vector<16xi32>,
        %add3A_201 = arith.constant 32 : i32
        %add3A_202 = arith.addi %sub3A_179, %add3A_201 : i32
        %add3A_203 = vector.broadcast %add3A_202 : i32 to vector<16xi32>
        %add3A_204 = arith.addi %add3A_203, %iota3A_180 : vector<16xi32>
        %gather3A_205 = tpu.vector_load_idx %arg6[%add3A_204] : memref<9472xi32, #tpu.memory_space<vmem>>[vector<16xi32>], vector<16xi32>,
        %swap3A_206 = arith.constant 32 : index
        %swap3A_207 = tpu.vector_load %arg10[%swap3A_206] {strides = array<i32>} : memref<128xi32, #tpu.memory_space<vmem>>, vector<16xi32>,
        tpu.vector_store %arg10[%swap3A_206], %gather3A_205 {strides = array<i32>} : memref<128xi32, #tpu.memory_space<vmem>>, vector<16xi32>,
        %gather3A_208 = tpu.vector_load_idx %arg7[%add3A_204] : memref<9472xi32, #tpu.memory_space<vmem>>[vector<16xi32>], vector<16xi32>,
        %swap3A_209 = arith.constant 32 : index
        %swap3A_210 = tpu.vector_load %arg11[%swap3A_209] {strides = array<i32>} : memref<128xi32, #tpu.memory_space<vmem>>, vector<16xi32>,
        tpu.vector_store %arg11[%swap3A_209], %gather3A_208 {strides = array<i32>} : memref<128xi32, #tpu.memory_space<vmem>>, vector<16xi32>,
        %add3A_211 = arith.constant 48 : i32
        %add3A_212 = arith.addi %sub3A_179, %add3A_211 : i32
        %add3A_213 = vector.broadcast %add3A_212 : i32 to vector<16xi32>
        %add3A_214 = arith.addi %add3A_213, %iota3A_180 : vector<16xi32>
        %gather3A_215 = tpu.vector_load_idx %arg6[%add3A_214] : memref<9472xi32, #tpu.memory_space<vmem>>[vector<16xi32>], vector<16xi32>,
        %swap3A_216 = arith.constant 48 : index
        %swap3A_217 = tpu.vector_load %arg10[%swap3A_216] {strides = array<i32>} : memref<128xi32, #tpu.memory_space<vmem>>, vector<16xi32>,
        tpu.vector_store %arg10[%swap3A_216], %gather3A_215 {strides = array<i32>} : memref<128xi32, #tpu.memory_space<vmem>>, vector<16xi32>,
        %gather3A_218 = tpu.vector_load_idx %arg7[%add3A_214] : memref<9472xi32, #tpu.memory_space<vmem>>[vector<16xi32>], vector<16xi32>,
        %swap3A_219 = arith.constant 48 : index
        %swap3A_220 = tpu.vector_load %arg11[%swap3A_219] {strides = array<i32>} : memref<128xi32, #tpu.memory_space<vmem>>, vector<16xi32>,
        tpu.vector_store %arg11[%swap3A_219], %gather3A_218 {strides = array<i32>} : memref<128xi32, #tpu.memory_space<vmem>>, vector<16xi32>,
        %add3A_221 = arith.constant 64 : i32
        %add3A_222 = arith.addi %sub3A_179, %add3A_221 : i32
        %add3A_223 = vector.broadcast %add3A_222 : i32 to vector<16xi32>
        %add3A_224 = arith.addi %add3A_223, %iota3A_180 : vector<16xi32>
        %gather3A_225 = tpu.vector_load_idx %arg6[%add3A_224] : memref<9472xi32, #tpu.memory_space<vmem>>[vector<16xi32>], vector<16xi32>,
        %swap3A_226 = arith.constant 64 : index
        %swap3A_227 = tpu.vector_load %arg10[%swap3A_226] {strides = array<i32>} : memref<128xi32, #tpu.memory_space<vmem>>, vector<16xi32>,
        tpu.vector_store %arg10[%swap3A_226], %gather3A_225 {strides = array<i32>} : memref<128xi32, #tpu.memory_space<vmem>>, vector<16xi32>,
        %gather3A_228 = tpu.vector_load_idx %arg7[%add3A_224] : memref<9472xi32, #tpu.memory_space<vmem>>[vector<16xi32>], vector<16xi32>,
        %swap3A_229 = arith.constant 64 : index
        %swap3A_230 = tpu.vector_load %arg11[%swap3A_229] {strides = array<i32>} : memref<128xi32, #tpu.memory_space<vmem>>, vector<16xi32>,
        tpu.vector_store %arg11[%swap3A_229], %gather3A_228 {strides = array<i32>} : memref<128xi32, #tpu.memory_space<vmem>>, vector<16xi32>,
        %add3A_231 = arith.constant 80 : i32
        %add3A_232 = arith.addi %sub3A_179, %add3A_231 : i32
        %add3A_233 = vector.broadcast %add3A_232 : i32 to vector<16xi32>
        %add3A_234 = arith.addi %add3A_233, %iota3A_180 : vector<16xi32>
        %gather3A_235 = tpu.vector_load_idx %arg6[%add3A_234] : memref<9472xi32, #tpu.memory_space<vmem>>[vector<16xi32>], vector<16xi32>,
        %swap3A_236 = arith.constant 80 : index
        %swap3A_237 = tpu.vector_load %arg10[%swap3A_236] {strides = array<i32>} : memref<128xi32, #tpu.memory_space<vmem>>, vector<16xi32>,
        tpu.vector_store %arg10[%swap3A_236], %gather3A_235 {strides = array<i32>} : memref<128xi32, #tpu.memory_space<vmem>>, vector<16xi32>,
        %gather3A_238 = tpu.vector_load_idx %arg7[%add3A_234] : memref<9472xi32, #tpu.memory_space<vmem>>[vector<16xi32>], vector<16xi32>,
        %swap3A_239 = arith.constant 80 : index
        %swap3A_240 = tpu.vector_load %arg11[%swap3A_239] {strides = array<i32>} : memref<128xi32, #tpu.memory_space<vmem>>, vector<16xi32>,
        tpu.vector_store %arg11[%swap3A_239], %gather3A_238 {strides = array<i32>} : memref<128xi32, #tpu.memory_space<vmem>>, vector<16xi32>,
        %add3A_241 = arith.constant 96 : i32
        %add3A_242 = arith.addi %sub3A_179, %add3A_241 : i32
        %add3A_243 = vector.broadcast %add3A_242 : i32 to vector<16xi32>
        %add3A_244 = arith.addi %add3A_243, %iota3A_180 : vector<16xi32>
        %gather3A_245 = tpu.vector_load_idx %arg6[%add3A_244] : memref<9472xi32, #tpu.memory_space<vmem>>[vector<16xi32>], vector<16xi32>,
        %swap3A_246 = arith.constant 96 : index
        %swap3A_247 = tpu.vector_load %arg10[%swap3A_246] {strides = array<i32>} : memref<128xi32, #tpu.memory_space<vmem>>, vector<16xi32>,
        tpu.vector_store %arg10[%swap3A_246], %gather3A_245 {strides = array<i32>} : memref<128xi32, #tpu.memory_space<vmem>>, vector<16xi32>,
        %gather3A_248 = tpu.vector_load_idx %arg7[%add3A_244] : memref<9472xi32, #tpu.memory_space<vmem>>[vector<16xi32>], vector<16xi32>,
        %swap3A_249 = arith.constant 96 : index
        %swap3A_250 = tpu.vector_load %arg11[%swap3A_249] {strides = array<i32>} : memref<128xi32, #tpu.memory_space<vmem>>, vector<16xi32>,
        tpu.vector_store %arg11[%swap3A_249], %gather3A_248 {strides = array<i32>} : memref<128xi32, #tpu.memory_space<vmem>>, vector<16xi32>,
        %add3A_251 = arith.constant 112 : i32
        %add3A_252 = arith.addi %sub3A_179, %add3A_251 : i32
        %add3A_253 = vector.broadcast %add3A_252 : i32 to vector<16xi32>
        %add3A_254 = arith.addi %add3A_253, %iota3A_180 : vector<16xi32>
        %gather3A_255 = tpu.vector_load_idx %arg6[%add3A_254] : memref<9472xi32, #tpu.memory_space<vmem>>[vector<16xi32>], vector<16xi32>,
        %swap3A_256 = arith.constant 112 : index
        %swap3A_257 = tpu.vector_load %arg10[%swap3A_256] {strides = array<i32>} : memref<128xi32, #tpu.memory_space<vmem>>, vector<16xi32>,
        tpu.vector_store %arg10[%swap3A_256], %gather3A_255 {strides = array<i32>} : memref<128xi32, #tpu.memory_space<vmem>>, vector<16xi32>,
        %gather3A_258 = tpu.vector_load_idx %arg7[%add3A_254] : memref<9472xi32, #tpu.memory_space<vmem>>[vector<16xi32>], vector<16xi32>,
        %swap3A_259 = arith.constant 112 : index
        %swap3A_260 = tpu.vector_load %arg11[%swap3A_259] {strides = array<i32>} : memref<128xi32, #tpu.memory_space<vmem>>, vector<16xi32>,
        tpu.vector_store %arg11[%swap3A_259], %gather3A_258 {strides = array<i32>} : memref<128xi32, #tpu.memory_space<vmem>>, vector<16xi32>,
        %dma_start3A_261 = arith.constant 0 : i32
        %dma_start3A_262 = arith.constant 0 : i32
        %dma_start3A_263 = tpu.memref_slice %arg2[%dma_start3A_261, %dma_start3A_262] : memref<50000x128xf32, #tpu.memory_space<hbm>> -> memref<50000x128xf32, #tpu.memory_space<hbm>>
        tpu.enqueue_indirect_dma source(%dma_start3A_263 : memref<50000x128xf32, #tpu.memory_space<hbm>>) target(%arg13 : memref<128x128xf32, #tpu.memory_space<vmem>>) offsets(%arg10 : memref<128xi32, #tpu.memory_space<vmem>>) semaphore(%arg19 : memref<!tpu.dma_semaphore, #tpu.memory_space<semaphore_mem>>)
        %dma_start3A_264 = arith.constant 0 : i32
        %dma_start3A_265 = arith.constant 0 : i32
        %dma_start3A_266 = tpu.memref_slice %arg2[%dma_start3A_264, %dma_start3A_265] : memref<50000x128xf32, #tpu.memory_space<hbm>> -> memref<50000x128xf32, #tpu.memory_space<hbm>>
        tpu.enqueue_indirect_dma source(%dma_start3A_266 : memref<50000x128xf32, #tpu.memory_space<hbm>>) target(%arg15 : memref<128x128xf32, #tpu.memory_space<vmem>>) offsets(%arg11 : memref<128xi32, #tpu.memory_space<vmem>>) semaphore(%arg21 : memref<!tpu.dma_semaphore, #tpu.memory_space<semaphore_mem>>)
      } else {
      }
      %dma_wait3A_119 = arith.constant 0 : i32
      %dma_wait3A_120 = arith.constant 0 : i32
      %dma_wait3A_121 = tpu.memref_slice %arg2[%dma_wait3A_119, %dma_wait3A_120] : memref<50000x128xf32, #tpu.memory_space<hbm>> -> memref<50000x128xf32, #tpu.memory_space<hbm>>
      tpu.wait_indirect_dma semaphore(%arg18 : memref<!tpu.dma_semaphore, #tpu.memory_space<semaphore_mem>>) src(%dma_wait3A_121 : memref<50000x128xf32, #tpu.memory_space<hbm>>) dst(%arg12 : memref<128x128xf32, #tpu.memory_space<vmem>>)
      %dma_wait3A_122 = arith.constant 0 : i32
      %dma_wait3A_123 = arith.constant 0 : i32
      %dma_wait3A_124 = tpu.memref_slice %arg2[%dma_wait3A_122, %dma_wait3A_123] : memref<50000x128xf32, #tpu.memory_space<hbm>> -> memref<50000x128xf32, #tpu.memory_space<hbm>>
      tpu.wait_indirect_dma semaphore(%arg20 : memref<!tpu.dma_semaphore, #tpu.memory_space<semaphore_mem>>) src(%dma_wait3A_124 : memref<50000x128xf32, #tpu.memory_space<hbm>>) dst(%arg14 : memref<128x128xf32, #tpu.memory_space<vmem>>)
      %ge3A = arith.constant 2 : i32
      %ge3A_125 = arith.cmpi sge, %add3A_114, %ge3A : i32
      %convert_element_type3A_126 = arith.extui %ge3A_125 : i1 to i32
      %cond3A_127 = arith.constant 0 : i32
      %cond3A_128 = arith.cmpi ne, %convert_element_type3A_126, %cond3A_127 : i32
      scf.if %cond3A_128 {
        %mul3A_172 = arith.constant 128 : i32
        %mul3A_173 = arith.muli %add3A_114, %mul3A_172 : i32
        %add3A_174 = arith.addi %mul3A_2, %mul3A_173 : i32
        %min3A_175 = arith.constant 299870 : i32
        %min3A_176 = arith.minsi %add3A_174, %min3A_175 : i32
        %mul3A_177 = arith.constant 32 : i32
        %mul3A_178 = arith.muli %min3A_176, %mul3A_177 : i32
        %dma_wait3A_179 = tpu.memref_slice %arg5[%mul3A_178] : memref<9599936xf32, #tpu.memory_space<hbm>> -> memref<4096xf32, #tpu.memory_space<hbm>>
        %dma_wait3A_180 = tpu.memref_slice %arg5[%mul3A_178] : memref<9599936xf32, #tpu.memory_space<hbm>> -> memref<4096xf32, #tpu.memory_space<hbm>>
        tpu.wait_dma2 semaphore(%arg22 : memref<!tpu.dma_semaphore, #tpu.memory_space<semaphore_mem>>) src(%arg16 : memref<4096xf32, #tpu.memory_space<vmem>>) dst(%dma_wait3A_180 : memref<4096xf32, #tpu.memory_space<hbm>>)
      } else {
      }
      %parallel_loop3A = arith.constant 0 : i32
      %parallel_loop3A_129 = arith.constant 128 : i32
      %parallel_loop3A_130 = arith.constant 1 : i32
      scf.for %parallel_loop3A_172 = %parallel_loop3A to %parallel_loop3A_129 step %parallel_loop3A_130  : i32 {
        %parallel_loop3A_173 = arith.index_cast %parallel_loop3A_172 : i32 to index
        %parallel_loop3A_174 = arith.constant 0 : index
        %parallel_loop3A_175 = tpu.vector_load %arg12[%parallel_loop3A_173, %parallel_loop3A_174] {strides = array<i32>} : memref<128x128xf32, #tpu.memory_space<vmem>>, vector<16xf32>,
        %parallel_loop3A_176 = arith.index_cast %parallel_loop3A_172 : i32 to index
        %parallel_loop3A_177 = arith.constant 0 : index
        %parallel_loop3A_178 = tpu.vector_load %arg14[%parallel_loop3A_176, %parallel_loop3A_177] {strides = array<i32>} : memref<128x128xf32, #tpu.memory_space<vmem>>, vector<16xf32>,
        %parallel_loop3A_179 = arith.subf %parallel_loop3A_175, %parallel_loop3A_178 : vector<16xf32>
        %parallel_loop3A_180 = arith.mulf %parallel_loop3A_179, %parallel_loop3A_179 : vector<16xf32>
        %parallel_loop3A_181 = arith.index_cast %parallel_loop3A_172 : i32 to index
        %parallel_loop3A_182 = arith.constant 32 : index
        %parallel_loop3A_183 = tpu.vector_load %arg12[%parallel_loop3A_181, %parallel_loop3A_182] {strides = array<i32>} : memref<128x128xf32, #tpu.memory_space<vmem>>, vector<16xf32>,
        %parallel_loop3A_184 = arith.index_cast %parallel_loop3A_172 : i32 to index
        %parallel_loop3A_185 = arith.constant 32 : index
        %parallel_loop3A_186 = tpu.vector_load %arg14[%parallel_loop3A_184, %parallel_loop3A_185] {strides = array<i32>} : memref<128x128xf32, #tpu.memory_space<vmem>>, vector<16xf32>,
        %parallel_loop3A_187 = arith.subf %parallel_loop3A_183, %parallel_loop3A_186 : vector<16xf32>
        %parallel_loop3A_188 = arith.mulf %parallel_loop3A_187, %parallel_loop3A_187 : vector<16xf32>
        %parallel_loop3A_189 = arith.addf %parallel_loop3A_180, %parallel_loop3A_188 : vector<16xf32>
        %parallel_loop3A_190 = arith.index_cast %parallel_loop3A_172 : i32 to index
        %parallel_loop3A_191 = arith.constant 64 : index
        %parallel_loop3A_192 = tpu.vector_load %arg12[%parallel_loop3A_190, %parallel_loop3A_191] {strides = array<i32>} : memref<128x128xf32, #tpu.memory_space<vmem>>, vector<16xf32>,
        %parallel_loop3A_193 = arith.index_cast %parallel_loop3A_172 : i32 to index
        %parallel_loop3A_194 = arith.constant 64 : index
        %parallel_loop3A_195 = tpu.vector_load %arg14[%parallel_loop3A_193, %parallel_loop3A_194] {strides = array<i32>} : memref<128x128xf32, #tpu.memory_space<vmem>>, vector<16xf32>,
        %parallel_loop3A_196 = arith.subf %parallel_loop3A_192, %parallel_loop3A_195 : vector<16xf32>
        %parallel_loop3A_197 = arith.mulf %parallel_loop3A_196, %parallel_loop3A_196 : vector<16xf32>
        %parallel_loop3A_198 = arith.addf %parallel_loop3A_189, %parallel_loop3A_197 : vector<16xf32>
        %parallel_loop3A_199 = arith.constant 5.000000e-01 : f32
        %parallel_loop3A_200 = vector.broadcast %parallel_loop3A_199 : f32 to vector<16xf32>
        %parallel_loop3A_201 = arith.mulf %parallel_loop3A_198, %parallel_loop3A_200 : vector<16xf32>
        %parallel_loop3A_202 = tpu.bitcast %parallel_loop3A_198 : vector<16xf32> -> vector<16xi32>
        %parallel_loop3A_203 = arith.constant 1 : i32
        %parallel_loop3A_204 = vector.broadcast %parallel_loop3A_203 : i32 to vector<16xi32>
        %parallel_loop3A_205 = arith.shrsi %parallel_loop3A_202, %parallel_loop3A_204 : vector<16xi32>
        %parallel_loop3A_206 = arith.constant 1597463007 : i32
        %parallel_loop3A_207 = vector.broadcast %parallel_loop3A_206 : i32 to vector<16xi32>
        %parallel_loop3A_208 = arith.subi %parallel_loop3A_207, %parallel_loop3A_205 : vector<16xi32>
        %parallel_loop3A_209 = tpu.bitcast %parallel_loop3A_208 : vector<16xi32> -> vector<16xf32>
        %parallel_loop3A_210 = arith.mulf %parallel_loop3A_201, %parallel_loop3A_209 : vector<16xf32>
        %parallel_loop3A_211 = arith.mulf %parallel_loop3A_210, %parallel_loop3A_209 : vector<16xf32>
        %parallel_loop3A_212 = arith.constant 1.500000e+00 : f32
        %parallel_loop3A_213 = vector.broadcast %parallel_loop3A_212 : f32 to vector<16xf32>
        %parallel_loop3A_214 = arith.subf %parallel_loop3A_213, %parallel_loop3A_211 : vector<16xf32>
        %parallel_loop3A_215 = arith.mulf %parallel_loop3A_209, %parallel_loop3A_214 : vector<16xf32>
        %parallel_loop3A_216 = arith.mulf %parallel_loop3A_198, %parallel_loop3A_215 : vector<16xf32>
        %parallel_loop3A_217 = arith.constant 32 : i32
        %parallel_loop3A_218 = arith.muli %parallel_loop3A_172, %parallel_loop3A_217 : i32
        %parallel_loop3A_219 = arith.constant 0 : i32
        %parallel_loop3A_220 = arith.addi %parallel_loop3A_218, %parallel_loop3A_219 : i32
        %parallel_loop3A_221 = arith.index_cast %parallel_loop3A_220 : i32 to index
        %parallel_loop3A_222 = tpu.vector_load %arg16[%parallel_loop3A_221] {strides = array<i32>} : memref<4096xf32, #tpu.memory_space<vmem>>, vector<16xf32>,
        tpu.vector_store %arg16[%parallel_loop3A_221], %parallel_loop3A_216 {strides = array<i32>} : memref<4096xf32, #tpu.memory_space<vmem>>, vector<16xf32>,
        %parallel_loop3A_223 = arith.index_cast %parallel_loop3A_172 : i32 to index
        %parallel_loop3A_224 = arith.constant 16 : index
        %parallel_loop3A_225 = tpu.vector_load %arg12[%parallel_loop3A_223, %parallel_loop3A_224] {strides = array<i32>} : memref<128x128xf32, #tpu.memory_space<vmem>>, vector<16xf32>,
        %parallel_loop3A_226 = arith.index_cast %parallel_loop3A_172 : i32 to index
        %parallel_loop3A_227 = arith.constant 16 : index
        %parallel_loop3A_228 = tpu.vector_load %arg14[%parallel_loop3A_226, %parallel_loop3A_227] {strides = array<i32>} : memref<128x128xf32, #tpu.memory_space<vmem>>, vector<16xf32>,
        %parallel_loop3A_229 = arith.subf %parallel_loop3A_225, %parallel_loop3A_228 : vector<16xf32>
        %parallel_loop3A_230 = arith.mulf %parallel_loop3A_229, %parallel_loop3A_229 : vector<16xf32>
        %parallel_loop3A_231 = arith.index_cast %parallel_loop3A_172 : i32 to index
        %parallel_loop3A_232 = arith.constant 48 : index
        %parallel_loop3A_233 = tpu.vector_load %arg12[%parallel_loop3A_231, %parallel_loop3A_232] {strides = array<i32>} : memref<128x128xf32, #tpu.memory_space<vmem>>, vector<16xf32>,
        %parallel_loop3A_234 = arith.index_cast %parallel_loop3A_172 : i32 to index
        %parallel_loop3A_235 = arith.constant 48 : index
        %parallel_loop3A_236 = tpu.vector_load %arg14[%parallel_loop3A_234, %parallel_loop3A_235] {strides = array<i32>} : memref<128x128xf32, #tpu.memory_space<vmem>>, vector<16xf32>,
        %parallel_loop3A_237 = arith.subf %parallel_loop3A_233, %parallel_loop3A_236 : vector<16xf32>
        %parallel_loop3A_238 = arith.mulf %parallel_loop3A_237, %parallel_loop3A_237 : vector<16xf32>
        %parallel_loop3A_239 = arith.addf %parallel_loop3A_230, %parallel_loop3A_238 : vector<16xf32>
        %parallel_loop3A_240 = arith.index_cast %parallel_loop3A_172 : i32 to index
        %parallel_loop3A_241 = arith.constant 80 : index
        %parallel_loop3A_242 = tpu.vector_load %arg12[%parallel_loop3A_240, %parallel_loop3A_241] {strides = array<i32>} : memref<128x128xf32, #tpu.memory_space<vmem>>, vector<16xf32>,
        %parallel_loop3A_243 = arith.index_cast %parallel_loop3A_172 : i32 to index
        %parallel_loop3A_244 = arith.constant 80 : index
        %parallel_loop3A_245 = tpu.vector_load %arg14[%parallel_loop3A_243, %parallel_loop3A_244] {strides = array<i32>} : memref<128x128xf32, #tpu.memory_space<vmem>>, vector<16xf32>,
        %parallel_loop3A_246 = arith.subf %parallel_loop3A_242, %parallel_loop3A_245 : vector<16xf32>
        %parallel_loop3A_247 = arith.mulf %parallel_loop3A_246, %parallel_loop3A_246 : vector<16xf32>
        %parallel_loop3A_248 = arith.addf %parallel_loop3A_239, %parallel_loop3A_247 : vector<16xf32>
        %parallel_loop3A_249 = arith.constant 5.000000e-01 : f32
        %parallel_loop3A_250 = vector.broadcast %parallel_loop3A_249 : f32 to vector<16xf32>
        %parallel_loop3A_251 = arith.mulf %parallel_loop3A_248, %parallel_loop3A_250 : vector<16xf32>
        %parallel_loop3A_252 = tpu.bitcast %parallel_loop3A_248 : vector<16xf32> -> vector<16xi32>
        %parallel_loop3A_253 = arith.constant 1 : i32
        %parallel_loop3A_254 = vector.broadcast %parallel_loop3A_253 : i32 to vector<16xi32>
        %parallel_loop3A_255 = arith.shrsi %parallel_loop3A_252, %parallel_loop3A_254 : vector<16xi32>
        %parallel_loop3A_256 = arith.constant 1597463007 : i32
        %parallel_loop3A_257 = vector.broadcast %parallel_loop3A_256 : i32 to vector<16xi32>
        %parallel_loop3A_258 = arith.subi %parallel_loop3A_257, %parallel_loop3A_255 : vector<16xi32>
        %parallel_loop3A_259 = tpu.bitcast %parallel_loop3A_258 : vector<16xi32> -> vector<16xf32>
        %parallel_loop3A_260 = arith.mulf %parallel_loop3A_251, %parallel_loop3A_259 : vector<16xf32>
        %parallel_loop3A_261 = arith.mulf %parallel_loop3A_260, %parallel_loop3A_259 : vector<16xf32>
        %parallel_loop3A_262 = arith.constant 1.500000e+00 : f32
        %parallel_loop3A_263 = vector.broadcast %parallel_loop3A_262 : f32 to vector<16xf32>
        %parallel_loop3A_264 = arith.subf %parallel_loop3A_263, %parallel_loop3A_261 : vector<16xf32>
        %parallel_loop3A_265 = arith.mulf %parallel_loop3A_259, %parallel_loop3A_264 : vector<16xf32>
        %parallel_loop3A_266 = arith.mulf %parallel_loop3A_248, %parallel_loop3A_265 : vector<16xf32>
        %parallel_loop3A_267 = arith.constant 32 : i32
        %parallel_loop3A_268 = arith.muli %parallel_loop3A_172, %parallel_loop3A_267 : i32
        %parallel_loop3A_269 = arith.constant 16 : i32
        %parallel_loop3A_270 = arith.addi %parallel_loop3A_268, %parallel_loop3A_269 : i32
        %parallel_loop3A_271 = arith.index_cast %parallel_loop3A_270 : i32 to index
        %parallel_loop3A_272 = tpu.vector_load %arg16[%parallel_loop3A_271] {strides = array<i32>} : memref<4096xf32, #tpu.memory_space<vmem>>, vector<16xf32>,
        tpu.vector_store %arg16[%parallel_loop3A_271], %parallel_loop3A_266 {strides = array<i32>} : memref<4096xf32, #tpu.memory_space<vmem>>, vector<16xf32>,
      } {sc.loop_unroll_factor = 4 : i64, sc.parallel_access}
      %mul3A_131 = arith.constant 128 : i32
      %mul3A_132 = arith.muli %add3A_114, %mul3A_131 : i32
      %add3A_133 = arith.addi %mul3A_2, %mul3A_132 : i32
      %min3A_134 = arith.constant 299870 : i32
      %min3A_135 = arith.minsi %add3A_133, %min3A_134 : i32
      %mul3A_136 = arith.constant 32 : i32
      %mul3A_137 = arith.muli %min3A_135, %mul3A_136 : i32
      %dma_start3A_138 = tpu.memref_slice %arg5[%mul3A_137] : memref<9599936xf32, #tpu.memory_space<hbm>> -> memref<4096xf32, #tpu.memory_space<hbm>>
      %dma_start3A_139 = tpu.memref_slice %arg5[%mul3A_137] : memref<9599936xf32, #tpu.memory_space<hbm>> -> memref<4096xf32, #tpu.memory_space<hbm>>
      tpu.enqueue_dma source(%arg16 : memref<4096xf32, #tpu.memory_space<vmem>>) target(%dma_start3A_139 : memref<4096xf32, #tpu.memory_space<hbm>>) target_semaphore(%arg22 : memref<!tpu.dma_semaphore, #tpu.memory_space<semaphore_mem>>)
      %add3A_140 = arith.constant 1 : i32
      %add3A_141 = arith.addi %add3A_112, %add3A_140 : i32
      %add3A_142 = arith.constant 1 : i32
      %add3A_143 = arith.addi %add3A_141, %add3A_142 : i32
      %lt3A_144 = arith.constant 74 : i32
      %lt3A_145 = arith.cmpi slt, %add3A_143, %lt3A_144 : i32
      %convert_element_type3A_146 = arith.extui %lt3A_145 : i1 to i32
      %cond3A_147 = arith.constant 0 : i32
      %cond3A_148 = arith.cmpi ne, %convert_element_type3A_146, %cond3A_147 : i32
      scf.if %cond3A_148 {
        %add3A_172 = arith.constant 1 : i32
        %add3A_173 = arith.addi %add3A_141, %add3A_172 : i32
        %mul3A_174 = arith.constant 128 : i32
        %mul3A_175 = arith.muli %add3A_173, %mul3A_174 : i32
        %add3A_176 = arith.addi %mul3A_2, %mul3A_175 : i32
        %min3A_177 = arith.constant 299870 : i32
        %min3A_178 = arith.minsi %add3A_176, %min3A_177 : i32
        %sub3A_179 = arith.subi %min3A_178, %mul3A_2 : i32
        %iota3A_180 = tpu.iota {dimensions = array<i32: 0>} : vector<16xi32>
        %add3A_181 = arith.constant 0 : i32
        %add3A_182 = arith.addi %sub3A_179, %add3A_181 : i32
        %add3A_183 = vector.broadcast %add3A_182 : i32 to vector<16xi32>
        %add3A_184 = arith.addi %add3A_183, %iota3A_180 : vector<16xi32>
        %gather3A_185 = tpu.vector_load_idx %arg6[%add3A_184] : memref<9472xi32, #tpu.memory_space<vmem>>[vector<16xi32>], vector<16xi32>,
        %swap3A_186 = arith.constant 0 : index
        %swap3A_187 = tpu.vector_load %arg8[%swap3A_186] {strides = array<i32>} : memref<128xi32, #tpu.memory_space<vmem>>, vector<16xi32>,
        tpu.vector_store %arg8[%swap3A_186], %gather3A_185 {strides = array<i32>} : memref<128xi32, #tpu.memory_space<vmem>>, vector<16xi32>,
        %gather3A_188 = tpu.vector_load_idx %arg7[%add3A_184] : memref<9472xi32, #tpu.memory_space<vmem>>[vector<16xi32>], vector<16xi32>,
        %swap3A_189 = arith.constant 0 : index
        %swap3A_190 = tpu.vector_load %arg9[%swap3A_189] {strides = array<i32>} : memref<128xi32, #tpu.memory_space<vmem>>, vector<16xi32>,
        tpu.vector_store %arg9[%swap3A_189], %gather3A_188 {strides = array<i32>} : memref<128xi32, #tpu.memory_space<vmem>>, vector<16xi32>,
        %add3A_191 = arith.constant 16 : i32
        %add3A_192 = arith.addi %sub3A_179, %add3A_191 : i32
        %add3A_193 = vector.broadcast %add3A_192 : i32 to vector<16xi32>
        %add3A_194 = arith.addi %add3A_193, %iota3A_180 : vector<16xi32>
        %gather3A_195 = tpu.vector_load_idx %arg6[%add3A_194] : memref<9472xi32, #tpu.memory_space<vmem>>[vector<16xi32>], vector<16xi32>,
        %swap3A_196 = arith.constant 16 : index
        %swap3A_197 = tpu.vector_load %arg8[%swap3A_196] {strides = array<i32>} : memref<128xi32, #tpu.memory_space<vmem>>, vector<16xi32>,
        tpu.vector_store %arg8[%swap3A_196], %gather3A_195 {strides = array<i32>} : memref<128xi32, #tpu.memory_space<vmem>>, vector<16xi32>,
        %gather3A_198 = tpu.vector_load_idx %arg7[%add3A_194] : memref<9472xi32, #tpu.memory_space<vmem>>[vector<16xi32>], vector<16xi32>,
        %swap3A_199 = arith.constant 16 : index
        %swap3A_200 = tpu.vector_load %arg9[%swap3A_199] {strides = array<i32>} : memref<128xi32, #tpu.memory_space<vmem>>, vector<16xi32>,
        tpu.vector_store %arg9[%swap3A_199], %gather3A_198 {strides = array<i32>} : memref<128xi32, #tpu.memory_space<vmem>>, vector<16xi32>,
        %add3A_201 = arith.constant 32 : i32
        %add3A_202 = arith.addi %sub3A_179, %add3A_201 : i32
        %add3A_203 = vector.broadcast %add3A_202 : i32 to vector<16xi32>
        %add3A_204 = arith.addi %add3A_203, %iota3A_180 : vector<16xi32>
        %gather3A_205 = tpu.vector_load_idx %arg6[%add3A_204] : memref<9472xi32, #tpu.memory_space<vmem>>[vector<16xi32>], vector<16xi32>,
        %swap3A_206 = arith.constant 32 : index
        %swap3A_207 = tpu.vector_load %arg8[%swap3A_206] {strides = array<i32>} : memref<128xi32, #tpu.memory_space<vmem>>, vector<16xi32>,
        tpu.vector_store %arg8[%swap3A_206], %gather3A_205 {strides = array<i32>} : memref<128xi32, #tpu.memory_space<vmem>>, vector<16xi32>,
        %gather3A_208 = tpu.vector_load_idx %arg7[%add3A_204] : memref<9472xi32, #tpu.memory_space<vmem>>[vector<16xi32>], vector<16xi32>,
        %swap3A_209 = arith.constant 32 : index
        %swap3A_210 = tpu.vector_load %arg9[%swap3A_209] {strides = array<i32>} : memref<128xi32, #tpu.memory_space<vmem>>, vector<16xi32>,
        tpu.vector_store %arg9[%swap3A_209], %gather3A_208 {strides = array<i32>} : memref<128xi32, #tpu.memory_space<vmem>>, vector<16xi32>,
        %add3A_211 = arith.constant 48 : i32
        %add3A_212 = arith.addi %sub3A_179, %add3A_211 : i32
        %add3A_213 = vector.broadcast %add3A_212 : i32 to vector<16xi32>
        %add3A_214 = arith.addi %add3A_213, %iota3A_180 : vector<16xi32>
        %gather3A_215 = tpu.vector_load_idx %arg6[%add3A_214] : memref<9472xi32, #tpu.memory_space<vmem>>[vector<16xi32>], vector<16xi32>,
        %swap3A_216 = arith.constant 48 : index
        %swap3A_217 = tpu.vector_load %arg8[%swap3A_216] {strides = array<i32>} : memref<128xi32, #tpu.memory_space<vmem>>, vector<16xi32>,
        tpu.vector_store %arg8[%swap3A_216], %gather3A_215 {strides = array<i32>} : memref<128xi32, #tpu.memory_space<vmem>>, vector<16xi32>,
        %gather3A_218 = tpu.vector_load_idx %arg7[%add3A_214] : memref<9472xi32, #tpu.memory_space<vmem>>[vector<16xi32>], vector<16xi32>,
        %swap3A_219 = arith.constant 48 : index
        %swap3A_220 = tpu.vector_load %arg9[%swap3A_219] {strides = array<i32>} : memref<128xi32, #tpu.memory_space<vmem>>, vector<16xi32>,
        tpu.vector_store %arg9[%swap3A_219], %gather3A_218 {strides = array<i32>} : memref<128xi32, #tpu.memory_space<vmem>>, vector<16xi32>,
        %add3A_221 = arith.constant 64 : i32
        %add3A_222 = arith.addi %sub3A_179, %add3A_221 : i32
        %add3A_223 = vector.broadcast %add3A_222 : i32 to vector<16xi32>
        %add3A_224 = arith.addi %add3A_223, %iota3A_180 : vector<16xi32>
        %gather3A_225 = tpu.vector_load_idx %arg6[%add3A_224] : memref<9472xi32, #tpu.memory_space<vmem>>[vector<16xi32>], vector<16xi32>,
        %swap3A_226 = arith.constant 64 : index
        %swap3A_227 = tpu.vector_load %arg8[%swap3A_226] {strides = array<i32>} : memref<128xi32, #tpu.memory_space<vmem>>, vector<16xi32>,
        tpu.vector_store %arg8[%swap3A_226], %gather3A_225 {strides = array<i32>} : memref<128xi32, #tpu.memory_space<vmem>>, vector<16xi32>,
        %gather3A_228 = tpu.vector_load_idx %arg7[%add3A_224] : memref<9472xi32, #tpu.memory_space<vmem>>[vector<16xi32>], vector<16xi32>,
        %swap3A_229 = arith.constant 64 : index
        %swap3A_230 = tpu.vector_load %arg9[%swap3A_229] {strides = array<i32>} : memref<128xi32, #tpu.memory_space<vmem>>, vector<16xi32>,
        tpu.vector_store %arg9[%swap3A_229], %gather3A_228 {strides = array<i32>} : memref<128xi32, #tpu.memory_space<vmem>>, vector<16xi32>,
        %add3A_231 = arith.constant 80 : i32
        %add3A_232 = arith.addi %sub3A_179, %add3A_231 : i32
        %add3A_233 = vector.broadcast %add3A_232 : i32 to vector<16xi32>
        %add3A_234 = arith.addi %add3A_233, %iota3A_180 : vector<16xi32>
        %gather3A_235 = tpu.vector_load_idx %arg6[%add3A_234] : memref<9472xi32, #tpu.memory_space<vmem>>[vector<16xi32>], vector<16xi32>,
        %swap3A_236 = arith.constant 80 : index
        %swap3A_237 = tpu.vector_load %arg8[%swap3A_236] {strides = array<i32>} : memref<128xi32, #tpu.memory_space<vmem>>, vector<16xi32>,
        tpu.vector_store %arg8[%swap3A_236], %gather3A_235 {strides = array<i32>} : memref<128xi32, #tpu.memory_space<vmem>>, vector<16xi32>,
        %gather3A_238 = tpu.vector_load_idx %arg7[%add3A_234] : memref<9472xi32, #tpu.memory_space<vmem>>[vector<16xi32>], vector<16xi32>,
        %swap3A_239 = arith.constant 80 : index
        %swap3A_240 = tpu.vector_load %arg9[%swap3A_239] {strides = array<i32>} : memref<128xi32, #tpu.memory_space<vmem>>, vector<16xi32>,
        tpu.vector_store %arg9[%swap3A_239], %gather3A_238 {strides = array<i32>} : memref<128xi32, #tpu.memory_space<vmem>>, vector<16xi32>,
        %add3A_241 = arith.constant 96 : i32
        %add3A_242 = arith.addi %sub3A_179, %add3A_241 : i32
        %add3A_243 = vector.broadcast %add3A_242 : i32 to vector<16xi32>
        %add3A_244 = arith.addi %add3A_243, %iota3A_180 : vector<16xi32>
        %gather3A_245 = tpu.vector_load_idx %arg6[%add3A_244] : memref<9472xi32, #tpu.memory_space<vmem>>[vector<16xi32>], vector<16xi32>,
        %swap3A_246 = arith.constant 96 : index
        %swap3A_247 = tpu.vector_load %arg8[%swap3A_246] {strides = array<i32>} : memref<128xi32, #tpu.memory_space<vmem>>, vector<16xi32>,
        tpu.vector_store %arg8[%swap3A_246], %gather3A_245 {strides = array<i32>} : memref<128xi32, #tpu.memory_space<vmem>>, vector<16xi32>,
        %gather3A_248 = tpu.vector_load_idx %arg7[%add3A_244] : memref<9472xi32, #tpu.memory_space<vmem>>[vector<16xi32>], vector<16xi32>,
        %swap3A_249 = arith.constant 96 : index
        %swap3A_250 = tpu.vector_load %arg9[%swap3A_249] {strides = array<i32>} : memref<128xi32, #tpu.memory_space<vmem>>, vector<16xi32>,
        tpu.vector_store %arg9[%swap3A_249], %gather3A_248 {strides = array<i32>} : memref<128xi32, #tpu.memory_space<vmem>>, vector<16xi32>,
        %add3A_251 = arith.constant 112 : i32
        %add3A_252 = arith.addi %sub3A_179, %add3A_251 : i32
        %add3A_253 = vector.broadcast %add3A_252 : i32 to vector<16xi32>
        %add3A_254 = arith.addi %add3A_253, %iota3A_180 : vector<16xi32>
        %gather3A_255 = tpu.vector_load_idx %arg6[%add3A_254] : memref<9472xi32, #tpu.memory_space<vmem>>[vector<16xi32>], vector<16xi32>,
        %swap3A_256 = arith.constant 112 : index
        %swap3A_257 = tpu.vector_load %arg8[%swap3A_256] {strides = array<i32>} : memref<128xi32, #tpu.memory_space<vmem>>, vector<16xi32>,
        tpu.vector_store %arg8[%swap3A_256], %gather3A_255 {strides = array<i32>} : memref<128xi32, #tpu.memory_space<vmem>>, vector<16xi32>,
        %gather3A_258 = tpu.vector_load_idx %arg7[%add3A_254] : memref<9472xi32, #tpu.memory_space<vmem>>[vector<16xi32>], vector<16xi32>,
        %swap3A_259 = arith.constant 112 : index
        %swap3A_260 = tpu.vector_load %arg9[%swap3A_259] {strides = array<i32>} : memref<128xi32, #tpu.memory_space<vmem>>, vector<16xi32>,
        tpu.vector_store %arg9[%swap3A_259], %gather3A_258 {strides = array<i32>} : memref<128xi32, #tpu.memory_space<vmem>>, vector<16xi32>,
        %dma_start3A_261 = arith.constant 0 : i32
        %dma_start3A_262 = arith.constant 0 : i32
        %dma_start3A_263 = tpu.memref_slice %arg2[%dma_start3A_261, %dma_start3A_262] : memref<50000x128xf32, #tpu.memory_space<hbm>> -> memref<50000x128xf32, #tpu.memory_space<hbm>>
        tpu.enqueue_indirect_dma source(%dma_start3A_263 : memref<50000x128xf32, #tpu.memory_space<hbm>>) target(%arg12 : memref<128x128xf32, #tpu.memory_space<vmem>>) offsets(%arg8 : memref<128xi32, #tpu.memory_space<vmem>>) semaphore(%arg18 : memref<!tpu.dma_semaphore, #tpu.memory_space<semaphore_mem>>)
        %dma_start3A_264 = arith.constant 0 : i32
        %dma_start3A_265 = arith.constant 0 : i32
        %dma_start3A_266 = tpu.memref_slice %arg2[%dma_start3A_264, %dma_start3A_265] : memref<50000x128xf32, #tpu.memory_space<hbm>> -> memref<50000x128xf32, #tpu.memory_space<hbm>>
        tpu.enqueue_indirect_dma source(%dma_start3A_266 : memref<50000x128xf32, #tpu.memory_space<hbm>>) target(%arg14 : memref<128x128xf32, #tpu.memory_space<vmem>>) offsets(%arg9 : memref<128xi32, #tpu.memory_space<vmem>>) semaphore(%arg20 : memref<!tpu.dma_semaphore, #tpu.memory_space<semaphore_mem>>)
      } else {
      }
      %dma_wait3A_149 = arith.constant 0 : i32
      %dma_wait3A_150 = arith.constant 0 : i32
      %dma_wait3A_151 = tpu.memref_slice %arg2[%dma_wait3A_149, %dma_wait3A_150] : memref<50000x128xf32, #tpu.memory_space<hbm>> -> memref<50000x128xf32, #tpu.memory_space<hbm>>
      tpu.wait_indirect_dma semaphore(%arg19 : memref<!tpu.dma_semaphore, #tpu.memory_space<semaphore_mem>>) src(%dma_wait3A_151 : memref<50000x128xf32, #tpu.memory_space<hbm>>) dst(%arg13 : memref<128x128xf32, #tpu.memory_space<vmem>>)
      %dma_wait3A_152 = arith.constant 0 : i32
      %dma_wait3A_153 = arith.constant 0 : i32
      %dma_wait3A_154 = tpu.memref_slice %arg2[%dma_wait3A_152, %dma_wait3A_153] : memref<50000x128xf32, #tpu.memory_space<hbm>> -> memref<50000x128xf32, #tpu.memory_space<hbm>>
      tpu.wait_indirect_dma semaphore(%arg21 : memref<!tpu.dma_semaphore, #tpu.memory_space<semaphore_mem>>) src(%dma_wait3A_154 : memref<50000x128xf32, #tpu.memory_space<hbm>>) dst(%arg15 : memref<128x128xf32, #tpu.memory_space<vmem>>)
      %ge3A_155 = arith.constant 2 : i32
      %ge3A_156 = arith.cmpi sge, %add3A_141, %ge3A_155 : i32
      %convert_element_type3A_157 = arith.extui %ge3A_156 : i1 to i32
      %cond3A_158 = arith.constant 0 : i32
      %cond3A_159 = arith.cmpi ne, %convert_element_type3A_157, %cond3A_158 : i32
      scf.if %cond3A_159 {
        %mul3A_172 = arith.constant 128 : i32
        %mul3A_173 = arith.muli %add3A_141, %mul3A_172 : i32
        %add3A_174 = arith.addi %mul3A_2, %mul3A_173 : i32
        %min3A_175 = arith.constant 299870 : i32
        %min3A_176 = arith.minsi %add3A_174, %min3A_175 : i32
        %mul3A_177 = arith.constant 32 : i32
        %mul3A_178 = arith.muli %min3A_176, %mul3A_177 : i32
        %dma_wait3A_179 = tpu.memref_slice %arg5[%mul3A_178] : memref<9599936xf32, #tpu.memory_space<hbm>> -> memref<4096xf32, #tpu.memory_space<hbm>>
        %dma_wait3A_180 = tpu.memref_slice %arg5[%mul3A_178] : memref<9599936xf32, #tpu.memory_space<hbm>> -> memref<4096xf32, #tpu.memory_space<hbm>>
        tpu.wait_dma2 semaphore(%arg23 : memref<!tpu.dma_semaphore, #tpu.memory_space<semaphore_mem>>) src(%arg17 : memref<4096xf32, #tpu.memory_space<vmem>>) dst(%dma_wait3A_180 : memref<4096xf32, #tpu.memory_space<hbm>>)
      } else {
      }
      %parallel_loop3A_160 = arith.constant 0 : i32
      %parallel_loop3A_161 = arith.constant 128 : i32
      %parallel_loop3A_162 = arith.constant 1 : i32
      scf.for %parallel_loop3A_172 = %parallel_loop3A_160 to %parallel_loop3A_161 step %parallel_loop3A_162  : i32 {
        %parallel_loop3A_173 = arith.index_cast %parallel_loop3A_172 : i32 to index
        %parallel_loop3A_174 = arith.constant 0 : index
        %parallel_loop3A_175 = tpu.vector_load %arg13[%parallel_loop3A_173, %parallel_loop3A_174] {strides = array<i32>} : memref<128x128xf32, #tpu.memory_space<vmem>>, vector<16xf32>,
        %parallel_loop3A_176 = arith.index_cast %parallel_loop3A_172 : i32 to index
        %parallel_loop3A_177 = arith.constant 0 : index
        %parallel_loop3A_178 = tpu.vector_load %arg15[%parallel_loop3A_176, %parallel_loop3A_177] {strides = array<i32>} : memref<128x128xf32, #tpu.memory_space<vmem>>, vector<16xf32>,
        %parallel_loop3A_179 = arith.subf %parallel_loop3A_175, %parallel_loop3A_178 : vector<16xf32>
        %parallel_loop3A_180 = arith.mulf %parallel_loop3A_179, %parallel_loop3A_179 : vector<16xf32>
        %parallel_loop3A_181 = arith.index_cast %parallel_loop3A_172 : i32 to index
        %parallel_loop3A_182 = arith.constant 32 : index
        %parallel_loop3A_183 = tpu.vector_load %arg13[%parallel_loop3A_181, %parallel_loop3A_182] {strides = array<i32>} : memref<128x128xf32, #tpu.memory_space<vmem>>, vector<16xf32>,
        %parallel_loop3A_184 = arith.index_cast %parallel_loop3A_172 : i32 to index
        %parallel_loop3A_185 = arith.constant 32 : index
        %parallel_loop3A_186 = tpu.vector_load %arg15[%parallel_loop3A_184, %parallel_loop3A_185] {strides = array<i32>} : memref<128x128xf32, #tpu.memory_space<vmem>>, vector<16xf32>,
        %parallel_loop3A_187 = arith.subf %parallel_loop3A_183, %parallel_loop3A_186 : vector<16xf32>
        %parallel_loop3A_188 = arith.mulf %parallel_loop3A_187, %parallel_loop3A_187 : vector<16xf32>
        %parallel_loop3A_189 = arith.addf %parallel_loop3A_180, %parallel_loop3A_188 : vector<16xf32>
        %parallel_loop3A_190 = arith.index_cast %parallel_loop3A_172 : i32 to index
        %parallel_loop3A_191 = arith.constant 64 : index
        %parallel_loop3A_192 = tpu.vector_load %arg13[%parallel_loop3A_190, %parallel_loop3A_191] {strides = array<i32>} : memref<128x128xf32, #tpu.memory_space<vmem>>, vector<16xf32>,
        %parallel_loop3A_193 = arith.index_cast %parallel_loop3A_172 : i32 to index
        %parallel_loop3A_194 = arith.constant 64 : index
        %parallel_loop3A_195 = tpu.vector_load %arg15[%parallel_loop3A_193, %parallel_loop3A_194] {strides = array<i32>} : memref<128x128xf32, #tpu.memory_space<vmem>>, vector<16xf32>,
        %parallel_loop3A_196 = arith.subf %parallel_loop3A_192, %parallel_loop3A_195 : vector<16xf32>
        %parallel_loop3A_197 = arith.mulf %parallel_loop3A_196, %parallel_loop3A_196 : vector<16xf32>
        %parallel_loop3A_198 = arith.addf %parallel_loop3A_189, %parallel_loop3A_197 : vector<16xf32>
        %parallel_loop3A_199 = arith.constant 5.000000e-01 : f32
        %parallel_loop3A_200 = vector.broadcast %parallel_loop3A_199 : f32 to vector<16xf32>
        %parallel_loop3A_201 = arith.mulf %parallel_loop3A_198, %parallel_loop3A_200 : vector<16xf32>
        %parallel_loop3A_202 = tpu.bitcast %parallel_loop3A_198 : vector<16xf32> -> vector<16xi32>
        %parallel_loop3A_203 = arith.constant 1 : i32
        %parallel_loop3A_204 = vector.broadcast %parallel_loop3A_203 : i32 to vector<16xi32>
        %parallel_loop3A_205 = arith.shrsi %parallel_loop3A_202, %parallel_loop3A_204 : vector<16xi32>
        %parallel_loop3A_206 = arith.constant 1597463007 : i32
        %parallel_loop3A_207 = vector.broadcast %parallel_loop3A_206 : i32 to vector<16xi32>
        %parallel_loop3A_208 = arith.subi %parallel_loop3A_207, %parallel_loop3A_205 : vector<16xi32>
        %parallel_loop3A_209 = tpu.bitcast %parallel_loop3A_208 : vector<16xi32> -> vector<16xf32>
        %parallel_loop3A_210 = arith.mulf %parallel_loop3A_201, %parallel_loop3A_209 : vector<16xf32>
        %parallel_loop3A_211 = arith.mulf %parallel_loop3A_210, %parallel_loop3A_209 : vector<16xf32>
        %parallel_loop3A_212 = arith.constant 1.500000e+00 : f32
        %parallel_loop3A_213 = vector.broadcast %parallel_loop3A_212 : f32 to vector<16xf32>
        %parallel_loop3A_214 = arith.subf %parallel_loop3A_213, %parallel_loop3A_211 : vector<16xf32>
        %parallel_loop3A_215 = arith.mulf %parallel_loop3A_209, %parallel_loop3A_214 : vector<16xf32>
        %parallel_loop3A_216 = arith.mulf %parallel_loop3A_198, %parallel_loop3A_215 : vector<16xf32>
        %parallel_loop3A_217 = arith.constant 32 : i32
        %parallel_loop3A_218 = arith.muli %parallel_loop3A_172, %parallel_loop3A_217 : i32
        %parallel_loop3A_219 = arith.constant 0 : i32
        %parallel_loop3A_220 = arith.addi %parallel_loop3A_218, %parallel_loop3A_219 : i32
        %parallel_loop3A_221 = arith.index_cast %parallel_loop3A_220 : i32 to index
        %parallel_loop3A_222 = tpu.vector_load %arg17[%parallel_loop3A_221] {strides = array<i32>} : memref<4096xf32, #tpu.memory_space<vmem>>, vector<16xf32>,
        tpu.vector_store %arg17[%parallel_loop3A_221], %parallel_loop3A_216 {strides = array<i32>} : memref<4096xf32, #tpu.memory_space<vmem>>, vector<16xf32>,
        %parallel_loop3A_223 = arith.index_cast %parallel_loop3A_172 : i32 to index
        %parallel_loop3A_224 = arith.constant 16 : index
        %parallel_loop3A_225 = tpu.vector_load %arg13[%parallel_loop3A_223, %parallel_loop3A_224] {strides = array<i32>} : memref<128x128xf32, #tpu.memory_space<vmem>>, vector<16xf32>,
        %parallel_loop3A_226 = arith.index_cast %parallel_loop3A_172 : i32 to index
        %parallel_loop3A_227 = arith.constant 16 : index
        %parallel_loop3A_228 = tpu.vector_load %arg15[%parallel_loop3A_226, %parallel_loop3A_227] {strides = array<i32>} : memref<128x128xf32, #tpu.memory_space<vmem>>, vector<16xf32>,
        %parallel_loop3A_229 = arith.subf %parallel_loop3A_225, %parallel_loop3A_228 : vector<16xf32>
        %parallel_loop3A_230 = arith.mulf %parallel_loop3A_229, %parallel_loop3A_229 : vector<16xf32>
        %parallel_loop3A_231 = arith.index_cast %parallel_loop3A_172 : i32 to index
        %parallel_loop3A_232 = arith.constant 48 : index
        %parallel_loop3A_233 = tpu.vector_load %arg13[%parallel_loop3A_231, %parallel_loop3A_232] {strides = array<i32>} : memref<128x128xf32, #tpu.memory_space<vmem>>, vector<16xf32>,
        %parallel_loop3A_234 = arith.index_cast %parallel_loop3A_172 : i32 to index
        %parallel_loop3A_235 = arith.constant 48 : index
        %parallel_loop3A_236 = tpu.vector_load %arg15[%parallel_loop3A_234, %parallel_loop3A_235] {strides = array<i32>} : memref<128x128xf32, #tpu.memory_space<vmem>>, vector<16xf32>,
        %parallel_loop3A_237 = arith.subf %parallel_loop3A_233, %parallel_loop3A_236 : vector<16xf32>
        %parallel_loop3A_238 = arith.mulf %parallel_loop3A_237, %parallel_loop3A_237 : vector<16xf32>
        %parallel_loop3A_239 = arith.addf %parallel_loop3A_230, %parallel_loop3A_238 : vector<16xf32>
        %parallel_loop3A_240 = arith.index_cast %parallel_loop3A_172 : i32 to index
        %parallel_loop3A_241 = arith.constant 80 : index
        %parallel_loop3A_242 = tpu.vector_load %arg13[%parallel_loop3A_240, %parallel_loop3A_241] {strides = array<i32>} : memref<128x128xf32, #tpu.memory_space<vmem>>, vector<16xf32>,
        %parallel_loop3A_243 = arith.index_cast %parallel_loop3A_172 : i32 to index
        %parallel_loop3A_244 = arith.constant 80 : index
        %parallel_loop3A_245 = tpu.vector_load %arg15[%parallel_loop3A_243, %parallel_loop3A_244] {strides = array<i32>} : memref<128x128xf32, #tpu.memory_space<vmem>>, vector<16xf32>,
        %parallel_loop3A_246 = arith.subf %parallel_loop3A_242, %parallel_loop3A_245 : vector<16xf32>
        %parallel_loop3A_247 = arith.mulf %parallel_loop3A_246, %parallel_loop3A_246 : vector<16xf32>
        %parallel_loop3A_248 = arith.addf %parallel_loop3A_239, %parallel_loop3A_247 : vector<16xf32>
        %parallel_loop3A_249 = arith.constant 5.000000e-01 : f32
        %parallel_loop3A_250 = vector.broadcast %parallel_loop3A_249 : f32 to vector<16xf32>
        %parallel_loop3A_251 = arith.mulf %parallel_loop3A_248, %parallel_loop3A_250 : vector<16xf32>
        %parallel_loop3A_252 = tpu.bitcast %parallel_loop3A_248 : vector<16xf32> -> vector<16xi32>
        %parallel_loop3A_253 = arith.constant 1 : i32
        %parallel_loop3A_254 = vector.broadcast %parallel_loop3A_253 : i32 to vector<16xi32>
        %parallel_loop3A_255 = arith.shrsi %parallel_loop3A_252, %parallel_loop3A_254 : vector<16xi32>
        %parallel_loop3A_256 = arith.constant 1597463007 : i32
        %parallel_loop3A_257 = vector.broadcast %parallel_loop3A_256 : i32 to vector<16xi32>
        %parallel_loop3A_258 = arith.subi %parallel_loop3A_257, %parallel_loop3A_255 : vector<16xi32>
        %parallel_loop3A_259 = tpu.bitcast %parallel_loop3A_258 : vector<16xi32> -> vector<16xf32>
        %parallel_loop3A_260 = arith.mulf %parallel_loop3A_251, %parallel_loop3A_259 : vector<16xf32>
        %parallel_loop3A_261 = arith.mulf %parallel_loop3A_260, %parallel_loop3A_259 : vector<16xf32>
        %parallel_loop3A_262 = arith.constant 1.500000e+00 : f32
        %parallel_loop3A_263 = vector.broadcast %parallel_loop3A_262 : f32 to vector<16xf32>
        %parallel_loop3A_264 = arith.subf %parallel_loop3A_263, %parallel_loop3A_261 : vector<16xf32>
        %parallel_loop3A_265 = arith.mulf %parallel_loop3A_259, %parallel_loop3A_264 : vector<16xf32>
        %parallel_loop3A_266 = arith.mulf %parallel_loop3A_248, %parallel_loop3A_265 : vector<16xf32>
        %parallel_loop3A_267 = arith.constant 32 : i32
        %parallel_loop3A_268 = arith.muli %parallel_loop3A_172, %parallel_loop3A_267 : i32
        %parallel_loop3A_269 = arith.constant 16 : i32
        %parallel_loop3A_270 = arith.addi %parallel_loop3A_268, %parallel_loop3A_269 : i32
        %parallel_loop3A_271 = arith.index_cast %parallel_loop3A_270 : i32 to index
        %parallel_loop3A_272 = tpu.vector_load %arg17[%parallel_loop3A_271] {strides = array<i32>} : memref<4096xf32, #tpu.memory_space<vmem>>, vector<16xf32>,
        tpu.vector_store %arg17[%parallel_loop3A_271], %parallel_loop3A_266 {strides = array<i32>} : memref<4096xf32, #tpu.memory_space<vmem>>, vector<16xf32>,
      } {sc.loop_unroll_factor = 4 : i64, sc.parallel_access}
      %mul3A_163 = arith.constant 128 : i32
      %mul3A_164 = arith.muli %add3A_141, %mul3A_163 : i32
      %add3A_165 = arith.addi %mul3A_2, %mul3A_164 : i32
      %min3A_166 = arith.constant 299870 : i32
      %min3A_167 = arith.minsi %add3A_165, %min3A_166 : i32
      %mul3A_168 = arith.constant 32 : i32
      %mul3A_169 = arith.muli %min3A_167, %mul3A_168 : i32
      %dma_start3A_170 = tpu.memref_slice %arg5[%mul3A_169] : memref<9599936xf32, #tpu.memory_space<hbm>> -> memref<4096xf32, #tpu.memory_space<hbm>>
      %dma_start3A_171 = tpu.memref_slice %arg5[%mul3A_169] : memref<9599936xf32, #tpu.memory_space<hbm>> -> memref<4096xf32, #tpu.memory_space<hbm>>
      tpu.enqueue_dma source(%arg17 : memref<4096xf32, #tpu.memory_space<vmem>>) target(%dma_start3A_171 : memref<4096xf32, #tpu.memory_space<hbm>>) target_semaphore(%arg23 : memref<!tpu.dma_semaphore, #tpu.memory_space<semaphore_mem>>)
    }
    %scan3A_92 = arith.constant 37 : i32
    %add3A_93 = arith.constant 9216 : i32
    %add3A_94 = arith.addi %mul3A_2, %add3A_93 : i32
    %min3A_95 = arith.constant 299870 : i32
    %min3A_96 = arith.minsi %add3A_94, %min3A_95 : i32
    %mul3A_97 = arith.constant 32 : i32
    %mul3A_98 = arith.muli %min3A_96, %mul3A_97 : i32
    %dma_wait3A = tpu.memref_slice %arg5[%mul3A_98] : memref<9599936xf32, #tpu.memory_space<hbm>> -> memref<4096xf32, #tpu.memory_space<hbm>>
    %dma_wait3A_99 = tpu.memref_slice %arg5[%mul3A_98] : memref<9599936xf32, #tpu.memory_space<hbm>> -> memref<4096xf32, #tpu.memory_space<hbm>>
    tpu.wait_dma2 semaphore(%arg22 : memref<!tpu.dma_semaphore, #tpu.memory_space<semaphore_mem>>) src(%arg16 : memref<4096xf32, #tpu.memory_space<vmem>>) dst(%dma_wait3A_99 : memref<4096xf32, #tpu.memory_space<hbm>>)
    %add3A_100 = arith.constant 9344 : i32
    %add3A_101 = arith.addi %mul3A_2, %add3A_100 : i32
    %min3A_102 = arith.constant 299870 : i32
    %min3A_103 = arith.minsi %add3A_101, %min3A_102 : i32
    %mul3A_104 = arith.constant 32 : i32
    %mul3A_105 = arith.muli %min3A_103, %mul3A_104 : i32
    %dma_wait3A_106 = tpu.memref_slice %arg5[%mul3A_105] : memref<9599936xf32, #tpu.memory_space<hbm>> -> memref<4096xf32, #tpu.memory_space<hbm>>
    %dma_wait3A_107 = tpu.memref_slice %arg5[%mul3A_105] : memref<9599936xf32, #tpu.memory_space<hbm>> -> memref<4096xf32, #tpu.memory_space<hbm>>
    tpu.wait_dma2 semaphore(%arg23 : memref<!tpu.dma_semaphore, #tpu.memory_space<semaphore_mem>>) src(%arg17 : memref<4096xf32, #tpu.memory_space<vmem>>) dst(%dma_wait3A_107 : memref<4096xf32, #tpu.memory_space<hbm>>)
    return
  }
}

</mosaic_0001>

<sc_bundles>
// kernel: _sc_distances.3.cloned.1.call-start
scs
__scs_entry_jumppad:
0x0: {  	(pc) =	sbr.rel $0x88, $3  }
0x1: {  	(tag) =	ssettag $0x0;
	lr =	simm.s32 $0x1  }
0x2: {  	[smem:$0x3F9E] =	sst lr;
	_ =	strace $0xD0000000  }
0x3: {  	_ = 	snop  }
0x4: {  	_ = 	snop  }
0x5: {  	_ = 	snop  }
0x6: {  	_ = 	snop  }
0x7: {  	_ = 	snop  }
__scs_overlays_trampoline_lowered:
0x8: {  	[smem:$0x3FAD] =	sst s0  }
0x9: {  	[smem:$0x3FAE] =	sst s1  }
0xa: {  	[smem:$0x3FAF] =	sst s2  }
0xb: {  	[smem:$0x3FB0] =	sst s3  }
0xc: {  	[smem:$0x3FB1] =	sst s4  }
0xd: {  	[smem:$0x3FB2] =	sst s5  }
0xe: {  	[smem:$0x3FB3] =	sst s6  }
0xf: {  	[smem:$0x3FB4] =	sst s7  }
0x10: {  	[smem:$0x3FB5] =	sst s8  }
0x11: {  	[smem:$0x3FB6] =	sst s9;
	s0 =	simm.s32 @!p0 $0x0  }
0x12: {  	s1 =	sld [smem:$0x3F9C];
	s0 =	simm.s32 @p0 $0x1  }
0x13: {  	[smem:$0x3FB7] =	sst s0;
	s0 =	simm.s32 @!p1 $0x0  }
0x14: {  	s2 =	sld [smem:$0x3F9B];
	s0 =	simm.s32 @p1 $0x1  }
0x15: {  	[smem:$0x3FB8] =	sst s0;
	s0 =	simm.s32 @!p2 $0x0  }
0x16: {  	s3 =	sld [smem:$0x3FDB];
	s0 =	simm.s32 @p2 $0x1  }
0x17: {  	s4 =	simm.s32 $0x1BF5;
	[smem:$0x3FBA] =	sst s0  }
0x18: {  	s0 =	sld [smem:$0x3F9D];
	_ =	swait.ge [sflag:s4], $0x0  }
0x19: {  	s7 =	sld [smem:$0x3F9E]  }
0x1a: {  	s8 =	sadd.s32 $0xFFFFE003, lr  }
0x1b: {  	s9 =	sadd.s32 $0xFFFFFEF7, lr;
	s5 =	simm.s32 $0xFFFFFFFF;
	p2 =	slt.u32 s8, $0xFFFFF086  }
0x1c: {  	p1 =	slt.u32 s9, $0xF7A;
	s5 =	simm.s32 @!p2 $0x0  }
0x1d: {  	s5 =	simm.s32 @p1 $0x1;
	p0 =	seq.s32 s7, s2  }
0x1e: {  	s7 =	smul.u32 @!p0 $0xF7A, s2;
	p2 =	seq.s32 @!p0 s5, $0x0  }
0x1f: {  	s9 =	smul.u32 $0xF7A, s1;
	s8 =	simm.s32 @!p0 $0x1BF5;
	p2 =	por !p2, p0  }
0x20: {  	[sflag:s8] =	ssyncset.s32 @!p0 $0xFFFFF086;
	s6 =	sadd.s32 @!p0 s3, s7;
	s7 =	simm.s32 @!p0 $0x108  }
0x21: {  	s3 =	sadd.s32 s3, s9;
	s6 =	sadd.s32 @!p0 $0x88, s6;
	s7 =	simm.s32 @p2 $0x1082  }
0x22: {  	[simem:s7], [sflag:s8] =	dma.local @!p0 [hbm:s6], $0xF7A  }
0x23: {  	s9 =	sor.u32 $0xD0000000, s2;
	s6 =	simm.s32 $0x108;
	_ =	swait.ge @!p0 [sflag:s8], $0x0  }
0x24: {  	s3 =	sadd.s32 $0x88, s3;
	s6 =	simm.s32 @!p1 $0x1082;
	[sflag:s4] =	ssyncset.s32 $0xFFFFF086  }
0x25: {  	[simem:s6], [sflag:s4] =	dma.local [hbm:s3], $0xF7A  }
0x26: {  	[smem:$0x3F9E] =	sst s1;
	(tag) =	ssettag s2;
	_ =	strace s9  }
0x27: {  	s1 =	sld [smem:$0x3FAE]  }
0x28: {  	s2 =	sld [smem:$0x3FAF]  }
0x29: {  	s4 =	sld [smem:$0x3FB1]  }
0x2a: {  	p0 =	seq.s32 s5, $0x0;
	s5 =	sld [smem:$0x3FB2]  }
0x2b: {  	s6 =	sld [smem:$0x3FB3]  }
0x2c: {  	s7 =	sld [smem:$0x3FB4]  }
0x2d: {  	s3 =	simm.s32 $0x108;
	s8 =	sld [smem:$0x3FB5]  }
0x2e: {  	s3 =	simm.s32 @!p0 $0x1082;
	s9 =	sld [smem:$0x3FB6]  }
0x2f: {  	lr =	sadd.s32 s0, s3;
	s0 =	sld [smem:$0x3FAD]  }
0x30: {  	s3 =	sld [smem:$0x3FB0]  }
0x31: {  	[smem:$0x3FB9] =	sst s10  }
0x32: {  	s10 =	sld [smem:$0x3FB7];
	_ =	sdelay $0x3  }
0x33: {  	p0 =	seq.s32 s10, $0x1;
	s10 =	sld [smem:$0x3FB9];
	_ =	sdelay $0x3  }
0x34: {  	[smem:$0x3FB9] =	sst s10  }
0x35: {  	s10 =	sld [smem:$0x3FB8];
	_ =	sdelay $0x3  }
0x36: {  	p1 =	seq.s32 s10, $0x1;
	s10 =	sld [smem:$0x3FB9];
	_ =	sdelay $0x3  }
0x37: {  	[smem:$0x3FB9] =	sst s10  }
0x38: {  	s10 =	sld [smem:$0x3FBA]  }
0x39: {  	_ = 	snop;
	(pc) =	sbr.ind lr, $3  }
0x3a: {  	_ = 	snop  }
0x3b: {  	_ = 	snop  }
0x3c: {  	p2 =	seq.s32 s10, $0x1;
	s10 =	sld [smem:$0x3FB9]  }
0x3d: {  	_ =	shalt  }
0x3e: {  	_ =	shalt  }
0x3f: {  	_ =	shalt  }
0x40: {  	_ =	shalt  }
0x41: {  	_ =	shalt  }
0x42: {  	_ =	shalt  }
0x43: {  	_ =	shalt  }
0x44: {  	_ =	shalt  }
0x45: {  	_ =	shalt  }
0x46: {  	_ =	shalt  }
0x47: {  	_ =	shalt  }
0x48: {  	_ =	shalt  }
0x49: {  	_ =	shalt  }
0x4a: {  	_ =	shalt  }
0x4b: {  	_ =	shalt  }
0x4c: {  	_ =	shalt  }
0x4d: {  	_ =	shalt  }
0x4e: {  	_ =	shalt  }
0x4f: {  	_ =	shalt  }
0x50: {  	_ =	shalt  }
0x51: {  	_ =	shalt  }
0x52: {  	_ =	shalt  }
0x53: {  	_ =	shalt  }
0x54: {  	_ =	shalt  }
0x55: {  	_ =	shalt  }
0x56: {  	_ =	shalt  }
0x57: {  	_ =	shalt  }
0x58: {  	_ =	shalt  }
0x59: {  	_ =	shalt  }
0x5a: {  	_ =	shalt  }
0x5b: {  	_ =	shalt  }
0x5c: {  	_ =	shalt  }
0x5d: {  	_ =	shalt  }
0x5e: {  	_ =	shalt  }
0x5f: {  	_ =	shalt  }
0x60: {  	_ =	shalt  }
0x61: {  	_ =	shalt  }
0x62: {  	_ =	shalt  }
0x63: {  	_ =	shalt  }
0x64: {  	_ =	shalt  }
0x65: {  	_ =	shalt  }
0x66: {  	_ =	shalt  }
0x67: {  	_ =	shalt  }
0x68: {  	_ =	shalt  }
0x69: {  	_ =	shalt  }
0x6a: {  	_ =	shalt  }
0x6b: {  	_ =	shalt  }
0x6c: {  	_ =	shalt  }
0x6d: {  	_ =	shalt  }
0x6e: {  	_ =	shalt  }
0x6f: {  	_ =	shalt  }
0x70: {  	_ =	shalt  }
0x71: {  	_ =	shalt  }
0x72: {  	_ =	shalt  }
0x73: {  	_ =	shalt  }
0x74: {  	_ =	shalt  }
0x75: {  	_ =	shalt  }
0x76: {  	_ =	shalt  }
0x77: {  	_ =	shalt  }
0x78: {  	_ =	shalt  }
0x79: {  	_ =	shalt  }
0x7a: {  	_ =	shalt  }
0x7b: {  	_ =	shalt  }
0x7c: {  	_ =	shalt  }
0x7d: {  	_ =	shalt  }
0x7e: {  	_ =	shalt  }
0x7f: {  	_ =	shalt  }
0x80: {  	_ =	shalt  }
0x81: {  	_ =	shalt  }
0x82: {  	_ =	shalt  }
0x83: {  	_ =	shalt  }
0x84: {  	_ =	shalt  }
0x85: {  	_ =	shalt  }
0x86: {  	_ =	shalt  }
0x87: {  	_ =	shalt  }
.Lfunc_end0:
.L_simem_size_0:
called_computation_lowered:
.L_overlay_start_0:
0x88: {  	s2 =	sld [smem:$0x3FD9]  }
0x89: {  	s3 =	sld [smem:$0x3FFE];
	_ =	sdelay $0x1  }
0x8a: {  	s1 =	srdreg.scid  }
0x8b: {  	s0 =	sand.u32 $0x1, s1  }
0x8c: {  	s18 =	sshll.u32 s0, $0xA;
	s2 =	sadd.s32 s3, s2  }
0x8d: {  	s2 =	sadd.s32 s2, s18  }
0x8e: {  	[smem:$0x3FC5] =	sst s2  }
0x8f: {  	_ = 	snop  }
0x90: {  	s2 =	sld [smem:$0x3FC9]  }
0x91: {  	s19 =	sld [smem:$0x3FC8]  }
0x92: {  	s4 =	sld [smem:$0x3FC7]  }
0x93: {  	s5 =	sld [smem:$0x3FD0];
	(tm) =	ssettm $0x1  }
0x94: {  	s6 =	sld [smem:$0x3FFB];
	_ =	sdelay $0x3  }
0x95: {  	_ =	strace s6  }
0x96: {  	s6 =	sld [smem:$0x3FFC];
	_ =	sdelay $0x3  }
0x97: {  	_ =	strace s6  }
0x98: {  	s6 =	sld [smem:$0x3FFD];
	_ =	sdelay $0x3  }
0x99: {  	_ =	strace s6  }
0x9a: {  	_ =	strace $0x8FFFFFFF  }
0x9b: {  	s20 =	sld [smem:$0x3FDB];
	_ =	sdelay $0x1  }
0x9c: {  	s7 =	simm.s32 $_scs_section_size  }
0x9d: {  	s8 =	simm.s32 $_size__tile_overlayer_lowered;
	s9 =	simm.s32 $_tile_overlayer_lowered  }
0x9e: {  	s23 =	simm.s32 $0x1BFF;
	s22 =	sshll.u32 s9, $0x1;
	s6 =	sadd.s32 s7, s20  }
0x9f: {  	s10 =	simm.s32 $0x0;
	s21 =	sshll.u32 s8, $0x1;
	s8 =	sadd.s32 s22, s6  }
0xa0: {  	[timem:s10], [sflag:s23] =	dma.local [hbm:s8], s21  }
0xa1: {  	_ =	swait.ge [sflag:s23], s21  }
0xa2: {  	s7 =	ssub.s32 $0x0, s21;
	[sflag:s23] =	ssyncset.done $0x0  }
0xa3: {  	[sflag:s23] =	ssyncadd.s32 s7;
	_ =	sdelay $0x1  }
0xa4: {  	s24 =	simm.s32 $0x1B8B  }
0xa5: {  	_ =	swait.ge [sflag:s24], $0x1  }
0xa6: {  	[sflag:s24] =	ssyncset.done $0x0  }
0xa7: {  	s25 =	simm.s32 $0x1B8E;
	[sflag:s24] =	ssyncadd.s32 $0xFFFFFFFF  }
0xa8: {  	s26 =	simm.s32 $execute0_lowered;
	[smem:$0x3FD2] =	sst s25  }
0xa9: {  	s7 =	sshll.u32 s26, $0x1;
	_ =	strace $0x80000046;
	[dreg:$0x1] =	wrdreg $0xFFFFFFFF  }
0xaa: {  	s28 =	simm.s32 $_size_execute0_lowered;
	s6 =	sadd.s32 s6, s7;
	[dreg:$0x0] =	wrdreg $0x0  }
0xab: {  	s7 =	sshll.u32 s28, $0x1;
	[dreg:$0x2] =	wrdreg s6  }
0xac: {  	[dreg:$0x3] =	wrdreg s7  }
0xad: {  	[dreg:$0x4] =	wrdreg $0xC0  }
0xae: {  	_ =	task [dreg:s10], $0x5FFFF  }
0xaf: {  	[dreg:$0x1] =	wrdreg $0xFFFFFFFF  }
0xb0: {  	[dreg:$0x0] =	wrdreg $0x60  }
0xb1: {  	[dreg:$0x2] =	wrdreg s2  }
0xb2: {  	[dreg:$0x3] =	wrdreg s19  }
0xb3: {  	[dreg:$0x4] =	wrdreg s4  }
0xb4: {  	[dreg:$0x5] =	wrdreg s5  }
0xb5: {  	[dreg:$0x6] =	wrdreg $0x9  }
0xb6: {  	_ =	task.clear_ibuf [dreg:s10], $0x7FFFF;
	_ =	strace $0x90000046  }
0xb7: {  	s29 =	simm.s32 $0x9;
	_ =	strace $0x80000048  }
0xb8: {  	_ =	swait.ge [sflag:s29], $0x1  }
0xb9: {  	[sflag:s29] =	ssyncadd.s32 $0xFFFFFFFF  }
0xba: {  	_ =	strace $0x90000048  }
0xbb: {  	_ =	sfence  }
0xbc: {  	s30 =	sld [smem:$0x0];
	_ =	sdelay $0x2  }
0xbd: {  	s31 =	sshll.u32 s1, $0xD;
	s1 =	sshrl.u32 s1, $0x2  }
0xbe: {  	s3 =	sand.u32 $0x4000, s31;
	s1 =	sadd.s32 s1, s30  }
0xbf: {  	s0 =	sor.u32 s3, s0;
	s1 =	sshll.u32 s1, $0x11  }
0xc0: {  	s0 =	sor.u32 s1, s0  }
0xc1: {  	s0 =	sadd.s32 $0x8F2B, s0  }
0xc2: {  	[sflag:s0] =	ssyncadd.remote.s32 $0x1  }
0xc3: {  	_ =	sfence.sel $0xFFFF  }
0xc4: {  	[dreg:$0x0] =	wrdreg $0xFFFFFFFF;
	(pc) =	sbr.abs _section_cstart, $3  }
0xc5: {  	[dreg:$0x1] =	wrdreg $0xFFFFFFFF  }
0xc6: {  	_ =	task.clear_ibuf [dreg:s10], $0x2FFFF;
	_ =	strace $0x9FFFFFFF  }
0xc7: {  	(tm) =	ssettm $0x7FFFFFFF  }
tec
execute0_lowered:
.L_overlay_start_1:
0x0: {  	(tag) =	ssettag $0x1  }
0x1: {  	s1 =	rddreg [dreg:$0x0];
	s0 =	srdreg.scid  }
0x2: {  	s3 =	stileid.u32;
	s2 =	rddreg [dreg:$0x1]  }
0x3: {  	s6 =	rddreg [dreg:$0x2];
	s5 =	simm.s32 $0x0;
	s12 =	simm.s32 $0x2500  }
0x4: {  	s13 =	simm.s32 $0x80;
	s22 =	simm.s32 $0x1;
	s23 =	simm.s32 $0x3  }
0x5: {  	s24 =	simm.s32 $0x14C00;
	s0 =	sand.u32 $0x1, s0;
	s3 =	sshll.u32 s3, $0x1  }
0x6: {  	s25 =	simm.s32 $0x2;
	s4 =	sor.u32 s0, s3;
	s0 =	ssub.s32 $0x2, s0  }
0x7: {  	s26 =	simm.s32 $0x4;
	s4 =	smul.u32 $0x2500, s4;
	s7 =	sshrl.u32 s0, $0x1  }
0x8: {  	s28 =	simm.s32 $0x15C00;
	[smem:$0x7FF] =	sst s5;
	s0 =	ssub.s32 s0, s7  }
0x9: {  	v0 =	vlaneseq.u32;
	s3 =	rddreg [dreg:$0x3];
	s8 =	sshrl.u32 s4, $0x3;
	s0 =	smax.u32 s0, $0x1  }
0xa: {  	v1 =	vor.u32 $0x10, v0;
	_ =	strace $0x80000047;
	s2 =	sadd.s32 s2, s8;
	[dreg:$0x7] =	wrdreg s0  }
0xb: {  	v2 =	vor.u32 $0x20, v0;
	v3 =	vor.u32 $0x30, v0;
	v4 =	vor.u32 $0x40, v0;
	s9 =	sadd.s32 $0x100, s4;
	s31 =	sadd.s32 s6, s8;
	[dreg:$0x5] =	wrdreg s2  }
0xc: {  	v5 =	vor.u32 $0x50, v0;
	v6 =	vor.u32 $0x60, v0;
	v7 =	vor.u32 $0x70, v0;
	s8 =	sor.u32 $0x80, s4;
	s6 =	simm.s32 $0x0;
	[dreg:$0x6] =	wrdreg s31  }
.LBB2_1:
0xd: {  	[dreg:$0x8] =	wrdreg s6  }
0xe: {  	s0 =	rddreg [dreg:$0x5];
	s2 =	simm.s32 $0x7  }
0xf: {  	[tilespmem:s5], [sflag:$0x7] =	stream.linear.gather [hbm4b:s0+s5], $0x2500, $0x38;
	[tilespmem:$0x16C00] =	vst v63  }
0x10: {  	_ =	swait.ge [sflag:s2], $0x2500  }
0x11: {  	[sflag:s2] =	ssyncset.done $0x0  }
0x12: {  	s20 =	rddreg [dreg:$0x6];
	[sflag:s2] =	ssyncadd.s32 $0xFFFFDB00  }
0x13: {  	[tilespmem:s12], [sflag:$0x7] =	stream.linear.gather [hbm4b:s20+s5], $0x2500, $0x38;
	[tilespmem:$0x16C00] =	vst v63  }
0x14: {  	_ =	swait.ge [sflag:s2], $0x2500  }
0x15: {  	[sflag:s2] =	ssyncset.done $0x0  }
0x16: {  	[sflag:s2] =	ssyncadd.s32 $0xFFFFDB00  }
0x17: {  	v8 =	vld.idx.msk [tilespmem:v0+s5+$0x0], $0xffff;
	_ =	sdelay $0x4  }
0x18: {  	[tilespmem:$0x4A00] =	vst v8  }
0x19: {  	v8 =	vld.idx.msk [tilespmem:v0+s12+$0x0], $0xffff;
	_ =	sdelay $0x4  }
0x1a: {  	[tilespmem:$0x4A80] =	vst v8  }
0x1b: {  	v8 =	vld.idx.msk [tilespmem:v1+s5+$0x0], $0xffff;
	_ =	sdelay $0x4  }
0x1c: {  	[tilespmem:$0x4A10] =	vst v8  }
0x1d: {  	v8 =	vld.idx.msk [tilespmem:v1+s12+$0x0], $0xffff;
	_ =	sdelay $0x4  }
0x1e: {  	[tilespmem:$0x4A90] =	vst v8  }
0x1f: {  	v8 =	vld.idx.msk [tilespmem:v2+s5+$0x0], $0xffff;
	_ =	sdelay $0x4  }
0x20: {  	[tilespmem:$0x4A20] =	vst v8  }
0x21: {  	v8 =	vld.idx.msk [tilespmem:v2+s12+$0x0], $0xffff;
	_ =	sdelay $0x4  }
0x22: {  	[tilespmem:$0x4AA0] =	vst v8  }
0x23: {  	v8 =	vld.idx.msk [tilespmem:v3+s5+$0x0], $0xffff;
	_ =	sdelay $0x4  }
0x24: {  	[tilespmem:$0x4A30] =	vst v8  }
0x25: {  	v8 =	vld.idx.msk [tilespmem:v3+s12+$0x0], $0xffff;
	_ =	sdelay $0x4  }
0x26: {  	[tilespmem:$0x4AB0] =	vst v8  }
0x27: {  	v8 =	vld.idx.msk [tilespmem:v4+s5+$0x0], $0xffff;
	_ =	sdelay $0x4  }
0x28: {  	[tilespmem:$0x4A40] =	vst v8  }
0x29: {  	v8 =	vld.idx.msk [tilespmem:v4+s12+$0x0], $0xffff;
	_ =	sdelay $0x4  }
0x2a: {  	[tilespmem:$0x4AC0] =	vst v8  }
0x2b: {  	v8 =	vld.idx.msk [tilespmem:v5+s5+$0x0], $0xffff;
	_ =	sdelay $0x4  }
0x2c: {  	[tilespmem:$0x4A50] =	vst v8  }
0x2d: {  	v8 =	vld.idx.msk [tilespmem:v5+s12+$0x0], $0xffff;
	_ =	sdelay $0x4  }
0x2e: {  	[tilespmem:$0x4AD0] =	vst v8  }
0x2f: {  	v8 =	vld.idx.msk [tilespmem:v6+s5+$0x0], $0xffff;
	_ =	sdelay $0x4  }
0x30: {  	[tilespmem:$0x4A60] =	vst v8  }
0x31: {  	v8 =	vld.idx.msk [tilespmem:v6+s12+$0x0], $0xffff;
	_ =	sdelay $0x4  }
0x32: {  	[tilespmem:$0x4AE0] =	vst v8  }
0x33: {  	v8 =	vld.idx.msk [tilespmem:v7+s5+$0x0], $0xffff;
	_ =	sdelay $0x4  }
0x34: {  	[tilespmem:$0x4A70] =	vst v8  }
0x35: {  	v8 =	vld.idx.msk [tilespmem:v7+s12+$0x0], $0xffff;
	_ =	sdelay $0x4  }
0x36: {  	s21 =	simm.s32 $0x4A00;
	s29 =	simm.s32 $0x4C00;
	[tilespmem:$0x4AF0] =	vst v8  }
0x37: {  	[tilespmem:s29], [sflag:$0x1] =	stream.indirect.gather [hbm4b:s1+s13], $0x80, s21, s13, $0xb8;
	[tilespmem:$0x16C00] =	vst v63  }
0x38: {  	s30 =	simm.s32 $0x4A80;
	s31 =	simm.s32 $0xCC00;
	s2 =	simm.s32 $0x0  }
0x39: {  	[tilespmem:s31], [sflag:$0x3] =	stream.indirect.gather [hbm4b:s1+s13], $0x80, s30, s13, $0xb8;
	[tilespmem:$0x16C00] =	vst v63  }
.LBB2_2:
0x3a: {  	s14 =	sshll.u32 s2, $0x8  }
0x3b: {  	s0 =	sadd.s32 s14, s8  }
0x3c: {  	s0 =	smin.u32 s0, $0x4935E  }
0x3d: {  	s6 =	ssub.s32 s0, s4  }
0x3e: {  	v8 =	vadd.s32 s6, v0;
	_ =	sdelay $0x4  }
0x3f: {  	v9 =	vld.idx.msk [tilespmem:v8+s5+$0x0], $0xffff;
	_ =	sdelay $0x4  }
0x40: {  	[tilespmem:$0x4B00] =	vst v9  }
0x41: {  	s7 =	sadd.s32 $0x10, s6;
	v8 =	vld.idx.msk [tilespmem:v8+s12+$0x0], $0xffff  }
0x42: {  	v9 =	vadd.s32 s7, v0;
	_ =	sdelay $0x3  }
0x43: {  	[tilespmem:$0x4B80] =	vst v8  }
0x44: {  	v8 =	vld.idx.msk [tilespmem:v9+s5+$0x0], $0xffff;
	_ =	sdelay $0x4  }
0x45: {  	[tilespmem:$0x4B10] =	vst v8  }
0x46: {  	s21 =	sor.u32 $0x20, s6;
	v8 =	vld.idx.msk [tilespmem:v9+s12+$0x0], $0xffff  }
0x47: {  	v9 =	vadd.s32 s21, v0;
	_ =	sdelay $0x3  }
0x48: {  	[tilespmem:$0x4B90] =	vst v8  }
0x49: {  	v8 =	vld.idx.msk [tilespmem:v9+s5+$0x0], $0xffff;
	_ =	sdelay $0x4  }
0x4a: {  	[tilespmem:$0x4B20] =	vst v8  }
0x4b: {  	s10 =	sadd.s32 $0x30, s6;
	v8 =	vld.idx.msk [tilespmem:v9+s12+$0x0], $0xffff  }
0x4c: {  	v9 =	vadd.s32 s10, v0;
	_ =	sdelay $0x3  }
0x4d: {  	[tilespmem:$0x4BA0] =	vst v8  }
0x4e: {  	v8 =	vld.idx.msk [tilespmem:v9+s5+$0x0], $0xffff;
	_ =	sdelay $0x4  }
0x4f: {  	[tilespmem:$0x4B30] =	vst v8  }
0x50: {  	s11 =	sadd.s32 $0x40, s6;
	v8 =	vld.idx.msk [tilespmem:v9+s12+$0x0], $0xffff  }
0x51: {  	v9 =	vadd.s32 s11, v0;
	_ =	sdelay $0x3  }
0x52: {  	[tilespmem:$0x4BB0] =	vst v8  }
0x53: {  	v8 =	vld.idx.msk [tilespmem:v9+s5+$0x0], $0xffff;
	_ =	sdelay $0x4  }
0x54: {  	[tilespmem:$0x4B40] =	vst v8  }
0x55: {  	s15 =	sadd.s32 $0x50, s6;
	v8 =	vld.idx.msk [tilespmem:v9+s12+$0x0], $0xffff  }
0x56: {  	v9 =	vadd.s32 s15, v0;
	_ =	sdelay $0x3  }
0x57: {  	[tilespmem:$0x4BC0] =	vst v8  }
0x58: {  	v8 =	vld.idx.msk [tilespmem:v9+s5+$0x0], $0xffff;
	_ =	sdelay $0x4  }
0x59: {  	[tilespmem:$0x4B50] =	vst v8  }
0x5a: {  	s16 =	sadd.s32 $0x60, s6;
	v8 =	vld.idx.msk [tilespmem:v9+s12+$0x0], $0xffff  }
0x5b: {  	v9 =	vadd.s32 s16, v0;
	_ =	sdelay $0x3  }
0x5c: {  	[tilespmem:$0x4BD0] =	vst v8  }
0x5d: {  	v8 =	vld.idx.msk [tilespmem:v9+s5+$0x0], $0xffff;
	_ =	sdelay $0x4  }
0x5e: {  	[tilespmem:$0x4B60] =	vst v8  }
0x5f: {  	s6 =	sadd.s32 $0x70, s6;
	v8 =	vld.idx.msk [tilespmem:v9+s12+$0x0], $0xffff  }
0x60: {  	v9 =	vadd.s32 s6, v0;
	_ =	sdelay $0x3  }
0x61: {  	[tilespmem:$0x4BE0] =	vst v8  }
0x62: {  	v8 =	vld.idx.msk [tilespmem:v9+s5+$0x0], $0xffff;
	_ =	sdelay $0x4  }
0x63: {  	[tilespmem:$0x4B70] =	vst v8  }
0x64: {  	v8 =	vld.idx.msk [tilespmem:v9+s12+$0x0], $0xffff;
	_ =	sdelay $0x4  }
0x65: {  	s17 =	simm.s32 $0x4B00;
	s18 =	simm.s32 $0x8C00;
	[tilespmem:$0x4BF0] =	vst v8  }
0x66: {  	[tilespmem:s18], [sflag:$0x2] =	stream.indirect.gather [hbm4b:s1+s13], $0x80, s17, s13, $0xb8;
	[tilespmem:$0x16C00] =	vst v63  }
0x67: {  	s19 =	simm.s32 $0x4B80;
	s20 =	simm.s32 $0x10C00  }
0x68: {  	[tilespmem:s20], [sflag:$0x4] =	stream.indirect.gather [hbm4b:s1+s13], $0x80, s19, s13, $0xb8;
	[tilespmem:$0x16C00] =	vst v63  }
0x69: {  	_ =	swait.ge [sflag:s22], $0x4000  }
0x6a: {  	[sflag:s22] =	ssyncset.done $0x0  }
0x6b: {  	[sflag:s22] =	ssyncadd.s32 $0xFFFFC000  }
0x6c: {  	_ =	swait.ge [sflag:s23], $0x4000  }
0x6d: {  	p0 =	seq.s32 s2, $0x0;
	[sflag:s23] =	ssyncset.done $0x0  }
0x6e: {  	s6 =	simm.s32 @!p0 $0x5;
	[sflag:s23] =	ssyncadd.s32 $0xFFFFC000  }
0x6f: {  	_ =	swait.ge @!p0 [sflag:s6], $0x1000  }
0x70: {  	[sflag:s6] =	ssyncset.done @!p0 $0x0  }
0x71: {  	s11 =	simm.s32 $0x4D00;
	[sflag:s6] =	ssyncadd.s32 @!p0 $0xFFFFF000  }
0x72: {  	s10 =	simm.s32 $0xCD00;
	v8 =	vld [tilespmem:s11+$0x80]  }
0x73: {  	v9 =	vld [tilespmem:s10+$0x80]  }
0x74: {  	v10 =	vld [tilespmem:s11+$0xA0]  }
0x75: {  	v11 =	vld [tilespmem:s10+$0xA0]  }
0x76: {  	v12 =	vld [tilespmem:s11+$0xC0]  }
0x77: {  	v13 =	vld [tilespmem:s10+$0xC0];
	_ =	sdelay $0x2  }
0x78: {  	v16 =	vld [tilespmem:s11+$0xFFFFFF40];
	v8 =	vsub.f32 v8, v9;
	v9 =	vsub.f32 v10, v11  }
0x79: {  	v17 =	vld [tilespmem:s10+$0xFFFFFF40]  }
0x7a: {  	v18 =	vld [tilespmem:s10+$0xFFFFFF80];
	v10 =	vsub.f32 v12, v13;
	v8 =	vmul.f32 v8, v8;
	v9 =	vmul.f32 v9, v9  }
0x7b: {  	v19 =	vld [tilespmem:s11+$0xFFFFFFA0]  }
0x7c: {  	v11 =	vld [tilespmem:s10+$0xFFFFFF00];
	v8 =	vadd.f32 v9, v8;
	v9 =	vmul.f32 v10, v10  }
0x7d: {  	v12 =	vld [tilespmem:s11+$0xFFFFFF20]  }
0x7e: {  	v10 =	vld [tilespmem:s10+$0xFFFFFF20];
	v8 =	vadd.f32 v9, v8  }
0x7f: {  	v9 =	vld [tilespmem:s11+$0xFFFFFF00]  }
0x80: {  	v20 =	vld [tilespmem:s10+$0x0];
	v14 =	vmul.f32 $5.000000000e-01, v8;
	v15 =	vshra.s32 v8, $0x1  }
0x81: {  	s16 =	simm.s32 $0x4F00;
	v21 =	vld [tilespmem:s10+$0x20];
	v15 =	vsub.s32 $0x5F3759DF, v15  }
0x82: {  	v27 =	vld [tilespmem:s16+$0xFFFFFF20];
	v14 =	vmul.f32 v15, v14  }
0x83: {  	v28 =	vld [tilespmem:s16+$0xFFFFFF80]  }
0x84: {  	s6 =	simm.s32 $0xCF00;
	v42 =	vld [tilespmem:s16+$0xFFFFFFA0];
	v10 =	vsub.f32 v12, v10;
	v9 =	vsub.f32 v9, v11;
	v14 =	vmul.f32 v15, v14  }
0x85: {  	v43 =	vld [tilespmem:s6+$0xFFFFFFA0];
	v16 =	vsub.f32 v16, v17  }
0x86: {  	v44 =	vld [tilespmem:s16+$0x0];
	v10 =	vmul.f32 v10, v10;
	v9 =	vmul.f32 v9, v9;
	v14 =	vsub.f32 $1.500000000e+00, v14  }
0x87: {  	v46 =	vld [tilespmem:s16+$0xFFFFFFC0]  }
0x88: {  	v13 =	vld [tilespmem:s11+$0xFFFFFF80];
	v9 =	vadd.f32 v10, v9;
	v10 =	vmul.f32 v16, v16;
	v14 =	vmul.f32 v15, v14  }
0x89: {  	v17 =	vld [tilespmem:s11+$0x20]  }
0x8a: {  	v12 =	vld [tilespmem:s10+$0xFFFFFFA0];
	v9 =	vadd.f32 v10, v9;
	v8 =	vmul.f32 v14, v8  }
0x8b: {  	s15 =	simm.s32 $0x14C40;
	v11 =	vld [tilespmem:s11+$0x0]  }
0x8c: {  	v16 =	vld [tilespmem:s10+$0xFFFFFFC0];
	v22 =	vshra.s32 v9, $0x1;
	[tilespmem:s15+$0x20] =	vst v8;
	v8 =	vmul.f32 $5.000000000e-01, v9  }
0x8d: {  	v15 =	vld [tilespmem:s11+$0xFFFFFFC0];
	v22 =	vsub.s32 $0x5F3759DF, v22  }
0x8e: {  	v10 =	vld [tilespmem:s11+$0x40];
	v8 =	vmul.f32 v22, v8  }
0x8f: {  	v14 =	vld [tilespmem:s10+$0x40]  }
0x90: {  	v13 =	vsub.f32 v13, v18;
	v11 =	vsub.f32 v11, v20;
	v20 =	vld [tilespmem:s16+$0x80];
	v8 =	vmul.f32 v22, v8  }
0x91: {  	v17 =	vsub.f32 v17, v21;
	v12 =	vsub.f32 v19, v12;
	v23 =	vld [tilespmem:s11+$0x90]  }
0x92: {  	v13 =	vmul.f32 v13, v13;
	v24 =	vld [tilespmem:s10+$0x90];
	v8 =	vsub.f32 $1.500000000e+00, v8  }
0x93: {  	v17 =	vmul.f32 v17, v17;
	v12 =	vmul.f32 v12, v12;
	v25 =	vld [tilespmem:s11+$0xB0];
	v15 =	vsub.f32 v15, v16  }
0x94: {  	v11 =	vmul.f32 v11, v11;
	v16 =	vld [tilespmem:s6+$0x80];
	v10 =	vsub.f32 v10, v14;
	v8 =	vmul.f32 v22, v8  }
0x95: {  	v12 =	vadd.f32 v12, v13;
	v14 =	vld [tilespmem:s16+$0xA0];
	v13 =	vmul.f32 v15, v15  }
0x96: {  	v11 =	vadd.f32 v17, v11;
	v10 =	vmul.f32 v10, v10;
	v8 =	vmul.f32 v8, v9;
	v9 =	vld [tilespmem:s6+$0xA0]  }
0x97: {  	v15 =	vld [tilespmem:s16+$0xC0]  }
0x98: {  	v12 =	vadd.f32 v13, v12;
	v10 =	vadd.f32 v10, v11;
	[tilespmem:s15+$0xFFFFFFC0] =	vst v8;
	v8 =	vld [tilespmem:s6+$0xC0]  }
0x99: {  	v26 =	vld [tilespmem:s10+$0xB0];
	v16 =	vsub.f32 v20, v16;
	v23 =	vsub.f32 v23, v24  }
0x9a: {  	v18 =	vld [tilespmem:s11+$0xD0];
	v13 =	vmul.f32 $5.000000000e-01, v12;
	v17 =	vshra.s32 v12, $0x1;
	v22 =	vshra.s32 v10, $0x1  }
0x9b: {  	v20 =	vsub.s32 $0x5F3759DF, v22;
	v22 =	vld [tilespmem:s6+$0xFFFFFF20];
	v9 =	vsub.f32 v14, v9;
	v14 =	vsub.s32 $0x5F3759DF, v17  }
0x9c: {  	v19 =	vld [tilespmem:s10+$0xD0];
	v16 =	vmul.f32 v16, v16;
	v13 =	vmul.f32 v14, v13  }
0x9d: {  	v23 =	vmul.f32 v23, v23;
	v11 =	vld [tilespmem:s11+$0xFFFFFF10];
	v9 =	vmul.f32 v9, v9;
	v8 =	vsub.f32 v15, v8  }
0x9e: {  	v50 =	vld [tilespmem:s10+$0xFFFFFF10];
	v17 =	vmul.f32 $5.000000000e-01, v10;
	v13 =	vmul.f32 v14, v13  }
0x9f: {  	v21 =	vld [tilespmem:s6+$0xFFFFFF00];
	v9 =	vadd.f32 v9, v16;
	v8 =	vmul.f32 v8, v8;
	v16 =	vsub.f32 v25, v26  }
0xa0: {  	v22 =	vsub.f32 v27, v22;
	v15 =	vmul.f32 v20, v17;
	v17 =	vld [tilespmem:s6+$0xFFFFFF80];
	v13 =	vsub.f32 $1.500000000e+00, v13  }
0xa1: {  	v8 =	vadd.f32 v8, v9;
	v9 =	vmul.f32 v16, v16;
	v16 =	vsub.f32 v18, v19;
	v18 =	vld [tilespmem:s6+$0x0]  }
0xa2: {  	v22 =	vmul.f32 v22, v22;
	v15 =	vmul.f32 v20, v15;
	v19 =	vld [tilespmem:s16+$0x20]  }
0xa3: {  	v11 =	vsub.f32 v11, v50;
	v13 =	vmul.f32 v14, v13;
	v14 =	vld [tilespmem:s16+$0xFFFFFF00];
	v29 =	vmul.f32 $5.000000000e-01, v8  }
0xa4: {  	v30 =	vshra.s32 v8, $0x1;
	v9 =	vadd.f32 v9, v23;
	v16 =	vmul.f32 v16, v16;
	v23 =	vld [tilespmem:s6+$0x20]  }
0xa5: {  	v15 =	vsub.f32 $1.500000000e+00, v15;
	v30 =	vsub.s32 $0x5F3759DF, v30;
	v12 =	vmul.f32 v13, v12;
	v13 =	vld [tilespmem:s6+$0xFFFFFF40]  }
0xa6: {  	v17 =	vsub.f32 v28, v17;
	v29 =	vmul.f32 v30, v29;
	v9 =	vadd.f32 v16, v9;
	v16 =	vld [tilespmem:s16+$0xFFFFFF40]  }
0xa7: {  	v47 =	vld [tilespmem:s6+$0xFFFFFFC0];
	v60 =	vmul.f32 v11, v11;
	v15 =	vmul.f32 v20, v15  }
0xa8: {  	v48 =	vld [tilespmem:s16+$0x40];
	v24 =	vsub.f32 v42, v43;
	v17 =	vmul.f32 v17, v17;
	v20 =	vmul.f32 v30, v29  }
0xa9: {  	v49 =	vld [tilespmem:s6+$0x40];
	v18 =	vsub.f32 v44, v18;
	v45 =	vmul.f32 $5.000000000e-01, v9;
	v14 =	vsub.f32 v14, v21  }
0xaa: {  	[tilespmem:s15+$0xFFFFFFE0] =	vst v12;
	v31 =	vshra.s32 v9, $0x1;
	v12 =	vsub.f32 v19, v23;
	v19 =	vld [tilespmem:s10+$0xFFFFFF30];
	v20 =	vsub.f32 $1.500000000e+00, v20  }
0xab: {  	v21 =	vmul.f32 v24, v24;
	v18 =	vmul.f32 v18, v18;
	v13 =	vsub.f32 v16, v13;
	v16 =	vld [tilespmem:s11+$0xFFFFFF30]  }
0xac: {  	v31 =	vsub.s32 $0x5F3759DF, v31;
	v14 =	vmul.f32 v14, v14;
	v20 =	vmul.f32 v30, v20  }
0xad: {  	v29 =	vmul.f32 v31, v45;
	v17 =	vadd.f32 v21, v17;
	v21 =	vsub.f32 v46, v47  }
0xae: {  	v14 =	vadd.f32 v22, v14;
	v22 =	vld [tilespmem:s10+$0xFFFFFF90];
	v13 =	vmul.f32 v13, v13;
	v8 =	vmul.f32 v20, v8  }
0xaf: {  	s17 =	simm.s32 $0x14CC0;
	v23 =	vsub.f32 v48, v49;
	v29 =	vmul.f32 v31, v29;
	v21 =	vmul.f32 v21, v21;
	v20 =	vld [tilespmem:s11+$0xFFFFFF90]  }
0xb0: {  	v12 =	vmul.f32 v12, v12;
	v13 =	vadd.f32 v13, v14;
	[tilespmem:s17+$0x20] =	vst v8;
	v16 =	vsub.f32 v16, v19;
	v19 =	vld [tilespmem:s11+$0xFFFFFFB0]  }
0xb1: {  	v8 =	vmul.f32 v15, v10;
	v10 =	vsub.f32 $1.500000000e+00, v29;
	v15 =	vadd.f32 v21, v17;
	v14 =	vld [tilespmem:s16+$0x90]  }
0xb2: {  	v12 =	vadd.f32 v12, v18;
	v17 =	vmul.f32 v23, v23;
	v18 =	vld [tilespmem:s6+$0x90];
	v21 =	vmul.f32 $5.000000000e-01, v13  }
0xb3: {  	v23 =	vld [tilespmem:s16+$0xB0];
	v51 =	vshra.s32 v13, $0x1;
	v10 =	vmul.f32 v31, v10;
	v52 =	vshra.s32 v15, $0x1  }
0xb4: {  	v12 =	vadd.f32 v17, v12;
	v17 =	vld [tilespmem:s6+$0xB0];
	v53 =	vmul.f32 $5.000000000e-01, v15;
	v24 =	vsub.s32 $0x5F3759DF, v51  }
0xb5: {  	v54 =	vld [tilespmem:s16+$0xD0];
	v61 =	vmul.f32 v16, v16;
	v25 =	vsub.s32 $0x5F3759DF, v52;
	v21 =	vmul.f32 v24, v21  }
0xb6: {  	v57 =	vld [tilespmem:s6+$0xD0];
	[tilespmem:s15+$0x0] =	vst v8;
	v8 =	vsub.f32 v20, v22;
	v55 =	vmul.f32 $5.000000000e-01, v12;
	v56 =	vshra.s32 v12, $0x1  }
0xb7: {  	v20 =	vld [tilespmem:s10+$0xFFFFFFB0];
	v26 =	vmul.f32 v25, v53;
	v29 =	vsub.s32 $0x5F3759DF, v56;
	v21 =	vmul.f32 v24, v21  }
0xb8: {  	v58 =	vmul.f32 v10, v9;
	v22 =	vmul.f32 v29, v55;
	v9 =	vsub.f32 v14, v18;
	v14 =	vld [tilespmem:s11+$0x10]  }
0xb9: {  	v18 =	vld [tilespmem:s10+$0x10];
	v10 =	vsub.f32 v23, v17;
	v17 =	vmul.f32 v25, v26;
	v21 =	vsub.f32 $1.500000000e+00, v21  }
0xba: {  	v59 =	vld [tilespmem:s11+$0x30];
	v22 =	vmul.f32 v29, v22;
	v9 =	vmul.f32 v9, v9  }
0xbb: {  	v23 =	vsub.f32 v54, v57;
	v10 =	vmul.f32 v10, v10;
	v11 =	vmul.f32 v24, v21;
	v21 =	vld [tilespmem:s10+$0x30]  }
0xbc: {  	v8 =	vmul.f32 v8, v8;
	v19 =	vsub.f32 v19, v20;
	v20 =	vld [tilespmem:s10+$0xFFFFFF50];
	v17 =	vsub.f32 $1.500000000e+00, v17  }
0xbd: {  	v23 =	vmul.f32 v23, v23;
	v16 =	vsub.f32 $1.500000000e+00, v22;
	v22 =	vld [tilespmem:s11+$0xFFFFFF50];
	v9 =	vadd.f32 v10, v9  }
0xbe: {  	s7 =	simm.s32 $0x60;
	v17 =	vmul.f32 v25, v17;
	v10 =	vld [tilespmem:s11+$0xFFFFFFD0];
	v14 =	vsub.f32 v14, v18;
	v18 =	vmul.f32 v11, v13  }
0xbf: {  	s18 =	sor.u32 $0x70, s7;
	v13 =	vld [tilespmem:s10+$0xFFFFFFD0];
	v16 =	vmul.f32 v29, v16;
	v9 =	vadd.f32 v23, v9;
	v23 =	vmul.f32 v19, v19  }
0xc0: {  	[tilespmem:s18+$0x14C00] =	vst v58;
	v11 =	vld [tilespmem:s11+$0x50];
	v17 =	vmul.f32 v17, v15;
	v15 =	vmul.f32 v14, v14;
	v21 =	vsub.f32 v59, v21  }
0xc1: {  	s31 =	simm.s32 $0x5100;
	[tilespmem:s17+$0xFFFFFFC0] =	vst v18;
	v62 =	vmul.f32 v16, v12;
	v16 =	vld [tilespmem:s10+$0x50];
	v63 =	vmul.f32 $5.000000000e-01, v9;
	v12 =	vshra.s32 v9, $0x1  }
0xc2: {  	s30 =	simm.s32 $0xCF00;
	s21 =	simm.s32 $0x20;
	s19 =	simm.s32 $0x40;
	v14 =	vld [tilespmem:s16+$0xFFFFFF10];
	[tilespmem:s17+$0xFFFFFFE0] =	vst v17;
	v19 =	vsub.f32 v22, v20;
	v12 =	vsub.s32 $0x5F3759DF, v12;
	v18 =	vmul.f32 v21, v21  }
0xc3: {  	s29 =	sor.u32 $0x50, s19;
	s11 =	simm.s32 $0x4;
	s10 =	sor.u32 $0x30, s21;
	v17 =	vld [tilespmem:s6+$0xFFFFFF10];
	v20 =	vadd.f32 v61, v60;
	v8 =	vadd.f32 v23, v8;
	[tilespmem:s17+$0x0] =	vst v62;
	v21 =	vmul.f32 v12, v63  }
.LBB2_3:
0xc4: {  	v22 =	vld [tilespmem:s31+$0x80];
	s6 =	sadd.s32 $0x200, s6;
	v19 =	vmul.f32 v19, v19;
	v10 =	vsub.f32 v10, v13;
	v13 =	vadd.f32 v18, v15  }
0xc5: {  	v15 =	vld [tilespmem:s6+$0x80];
	v18 =	vmul.f32 v12, v21  }
0xc6: {  	v21 =	vld [tilespmem:s31+$0xA0];
	v19 =	vadd.f32 v19, v20;
	v10 =	vmul.f32 v10, v10;
	v11 =	vsub.f32 v11, v16  }
0xc7: {  	v16 =	vld [tilespmem:s6+$0xA0];
	v18 =	vsub.f32 $1.500000000e+00, v18  }
0xc8: {  	v20 =	vld [tilespmem:s31+$0xC0];
	v14 =	vsub.f32 v14, v17;
	v10 =	vadd.f32 v10, v8;
	v11 =	vmul.f32 v11, v11  }
0xc9: {  	v23 =	vshra.s32 v19, $0x1;
	v17 =	vld [tilespmem:s6+$0xC0];
	v12 =	vmul.f32 v12, v18;
	v18 =	vmul.f32 $5.000000000e-01, v19  }
0xca: {  	s11 =	sadd.s32 $0x4, s11;
	v24 =	vld [tilespmem:s6+$0xFFFFFF00];
	v8 =	vmul.f32 v14, v14;
	v14 =	vmul.f32 $5.000000000e-01, v10;
	v11 =	vadd.f32 v11, v13  }
0xcb: {  	s7 =	sadd.s32 $0x80, s7;
	p1 =	slt.u32 s11, $0x7C;
	v13 =	vld [tilespmem:s31+$0xFFFFFF20];
	v9 =	vmul.f32 v12, v9;
	v12 =	vsub.s32 $0x5F3759DF, v23;
	v23 =	vshra.s32 v10, $0x1  }
0xcc: {  	s18 =	sadd.s32 $0xFFFFFFC0, s7;
	s20 =	sadd.s32 $0xFFFFFFE0, s7;
	s21 =	sor.u32 $0x70, s7;
	v15 =	vsub.f32 v22, v15;
	v25 =	vld [tilespmem:s6+$0xFFFFFF20];
	v16 =	vsub.f32 v21, v16;
	v21 =	vmul.f32 $5.000000000e-01, v11  }
0xcd: {  	s19 =	sor.u32 $0x30, s18;
	s18 =	sor.u32 $0x50, s20;
	v22 =	vld [tilespmem:s31+$0xFFFFFF80];
	[tilespmem:s21+$0x14C00] =	vst v9;
	v9 =	vmul.f32 v12, v18;
	v18 =	vsub.s32 $0x5F3759DF, v23;
	v23 =	vshra.s32 v11, $0x1  }
0xce: {  	v15 =	vmul.f32 v15, v15;
	v26 =	vld [tilespmem:s6+$0xFFFFFF80];
	v16 =	vmul.f32 v16, v16;
	v17 =	vsub.f32 v20, v17  }
0xcf: {  	v14 =	vmul.f32 v18, v14;
	v23 =	vsub.s32 $0x5F3759DF, v23;
	v20 =	vld [tilespmem:s31+$0xFFFFFFA0];
	v9 =	vmul.f32 v12, v9  }
0xd0: {  	v27 =	vld [tilespmem:s6+$0xFFFFFFA0];
	v15 =	vadd.f32 v16, v15;
	v16 =	vmul.f32 v17, v17;
	v17 =	vmul.f32 v23, v21  }
0xd1: {  	v14 =	vmul.f32 v18, v14;
	v13 =	vsub.f32 v13, v25;
	v21 =	vld [tilespmem:s31+$0x0];
	v9 =	vsub.f32 $1.500000000e+00, v9  }
0xd2: {  	v25 =	vld [tilespmem:s6+$0x0];
	v15 =	vadd.f32 v16, v15;
	v16 =	vmul.f32 v23, v17  }
0xd3: {  	v14 =	vsub.f32 $1.500000000e+00, v14;
	v13 =	vmul.f32 v13, v13;
	v17 =	vsub.f32 v22, v26;
	v22 =	vld [tilespmem:s31+$0x20]  }
0xd4: {  	v26 =	vld [tilespmem:s6+$0x20];
	v28 =	vmul.f32 $5.000000000e-01, v15;
	v29 =	vshra.s32 v15, $0x1;
	v16 =	vsub.f32 $1.500000000e+00, v16  }
0xd5: {  	v30 =	vld [tilespmem:s31+$0xFFFFFF00];
	v17 =	vmul.f32 v17, v17;
	v20 =	vsub.f32 v20, v27;
	v27 =	vsub.s32 $0x5F3759DF, v29  }
0xd6: {  	v9 =	vmul.f32 v12, v9;
	v29 =	vld [tilespmem:s31+$0xFFFFFF40];
	v28 =	vmul.f32 v27, v28  }
0xd7: {  	v14 =	vmul.f32 v18, v14;
	v12 =	vld [tilespmem:s6+$0xFFFFFF40];
	v20 =	vmul.f32 v20, v20;
	v21 =	vsub.f32 v21, v25  }
0xd8: {  	v16 =	vmul.f32 v23, v16;
	v18 =	vld [tilespmem:s31+$0xFFFFFFC0];
	v25 =	vmul.f32 v27, v28  }
0xd9: {  	v17 =	vadd.f32 v20, v17;
	v20 =	vld [tilespmem:s6+$0xFFFFFFC0];
	v21 =	vmul.f32 v21, v21;
	v22 =	vsub.f32 v22, v26  }
0xda: {  	v9 =	vmul.f32 v9, v19;
	v23 =	vsub.f32 v30, v24;
	v24 =	vld [tilespmem:s31+$0x40];
	v25 =	vsub.f32 $1.500000000e+00, v25  }
0xdb: {  	v10 =	vmul.f32 v14, v10;
	v19 =	vmul.f32 v22, v22;
	v22 =	vld [tilespmem:s6+$0x40]  }
0xdc: {  	v14 =	vmul.f32 v23, v23;
	v12 =	vsub.f32 v29, v12;
	v23 =	vmul.f32 v27, v25;
	v25 =	vld [tilespmem:s16+$0xFFFFFF30];
	[tilespmem:s15+$0xFFFFFFD0] =	vst v9;
	s15 =	smov.u32 s17  }
0xdd: {  	v9 =	vadd.f32 v19, v21;
	v19 =	vld [tilespmem:s30+$0xFFFFFF30];
	[tilespmem:s10+$0x14C00] =	vst v10;
	v10 =	vmul.f32 v16, v11;
	s10 =	smov.u32 s19  }
0xde: {  	v11 =	vadd.f32 v13, v14;
	v13 =	vsub.f32 v18, v20;
	v14 =	vmul.f32 v23, v15;
	v15 =	vld [tilespmem:s16+$0xFFFFFF90]  }
0xdf: {  	s17 =	sadd.s32 $0x80, s17;
	v12 =	vmul.f32 v12, v12;
	v16 =	vld [tilespmem:s30+$0xFFFFFF90];
	[tilespmem:s29+$0x14C00] =	vst v10;
	s29 =	smov.u32 s18  }
0xe0: {  	v10 =	vmul.f32 v13, v13;
	v13 =	vsub.f32 v24, v22;
	[tilespmem:s17+$0x20] =	vst v14;
	v14 =	vld [tilespmem:s16+$0xFFFFFFB0]  }
0xe1: {  	v11 =	vadd.f32 v12, v11;
	v12 =	vld [tilespmem:s31+$0x90]  }
0xe2: {  	v17 =	vadd.f32 v10, v17;
	v10 =	vmul.f32 v13, v13;
	v13 =	vld [tilespmem:s6+$0x90];
	v18 =	vsub.f32 v25, v19  }
0xe3: {  	v19 =	vmul.f32 $5.000000000e-01, v11;
	v20 =	vshra.s32 v11, $0x1;
	v21 =	vld [tilespmem:s31+$0xB0]  }
0xe4: {  	v22 =	vmul.f32 $5.000000000e-01, v17;
	v23 =	vshra.s32 v17, $0x1;
	v24 =	vadd.f32 v10, v9;
	v9 =	vld [tilespmem:s6+$0xB0]  }
0xe5: {  	v10 =	vsub.s32 $0x5F3759DF, v20;
	v15 =	vsub.f32 v15, v16;
	v20 =	vsub.s32 $0x5F3759DF, v23;
	v23 =	vld [tilespmem:s31+$0xD0]  }
0xe6: {  	v16 =	vmul.f32 v10, v19;
	v19 =	vmul.f32 $5.000000000e-01, v24;
	v25 =	vshra.s32 v24, $0x1;
	v26 =	vld [tilespmem:s6+$0xD0]  }
0xe7: {  	v27 =	vmul.f32 v18, v18;
	v22 =	vmul.f32 v20, v22;
	v25 =	vsub.s32 $0x5F3759DF, v25;
	v18 =	vld [tilespmem:s30+$0xFFFFFFB0]  }
0xe8: {  	v16 =	vmul.f32 v10, v16;
	v19 =	vmul.f32 v25, v19;
	v28 =	vld [tilespmem:s16+$0x10]  }
0xe9: {  	v12 =	vsub.f32 v12, v13;
	v22 =	vmul.f32 v20, v22;
	v9 =	vsub.f32 v21, v9;
	v13 =	vld [tilespmem:s30+$0x10]  }
0xea: {  	v29 =	vmul.f32 v15, v15;
	v16 =	vsub.f32 $1.500000000e+00, v16;
	v19 =	vmul.f32 v25, v19;
	v15 =	vld [tilespmem:s16+$0x30]  }
0xeb: {  	v12 =	vmul.f32 v12, v12;
	v9 =	vmul.f32 v9, v9;
	v21 =	vsub.f32 v23, v26;
	v23 =	vld [tilespmem:s30+$0x30]  }
0xec: {  	v16 =	vmul.f32 v10, v16;
	v10 =	vsub.f32 $1.500000000e+00, v22;
	v19 =	vsub.f32 $1.500000000e+00, v19;
	v22 =	vld [tilespmem:s16+$0xFFFFFF50]  }
0xed: {  	v14 =	vsub.f32 v14, v18;
	v9 =	vadd.f32 v9, v12;
	v12 =	vmul.f32 v21, v21;
	v21 =	vld [tilespmem:s30+$0xFFFFFF50]  }
0xee: {  	v18 =	vmul.f32 v20, v10;
	v19 =	vmul.f32 v25, v19;
	v10 =	vld [tilespmem:s16+$0xFFFFFFD0];
	v20 =	vsub.f32 v28, v13  }
.Ltmp0:
0xef: {  	v16 =	vmul.f32 v16, v11;
	v25 =	vmul.f32 v14, v14;
	v9 =	vadd.f32 v12, v9;
	v13 =	vld [tilespmem:s30+$0xFFFFFFD0];
	(pc) =	sbr.rel @p1 .LBB2_3-.Ltmp0, $4  }
0xf0: {  	v12 =	vmul.f32 v18, v17;
	v24 =	vmul.f32 v19, v24;
	v17 =	vsub.f32 v15, v23;
	v11 =	vld [tilespmem:s16+$0x50];
	s16 =	smov.u32 s31  }
0xf1: {  	v15 =	vmul.f32 v20, v20;
	[tilespmem:s17+$0xFFFFFFC0] =	vst v16;
	v23 =	vmul.f32 $5.000000000e-01, v9;
	v18 =	vshra.s32 v9, $0x1;
	v16 =	vld [tilespmem:s30+$0x50];
	s30 =	smov.u32 s6  }
0xf2: {  	v14 =	vld [tilespmem:s31+$0xFFFFFF10];
	[tilespmem:s17+$0xFFFFFFE0] =	vst v12;
	v12 =	vsub.s32 $0x5F3759DF, v18;
	v19 =	vsub.f32 v22, v21;
	v18 =	vmul.f32 v17, v17  }
0xf3: {  	v20 =	vadd.f32 v27, v8;
	v8 =	vadd.f32 v25, v29;
	s31 =	sadd.s32 $0x200, s31;
	v17 =	vld [tilespmem:s6+$0xFFFFFF10];
	[tilespmem:s17+$0x0] =	vst v24;
	v21 =	vmul.f32 v12, v23  }
0xf4: {  	v22 =	vld [tilespmem:s16+$0xFFFFFF30]  }
0xf5: {  	v23 =	vld [tilespmem:s30+$0xFFFFFF30]  }
0xf6: {  	v24 =	vld [tilespmem:s16+$0xFFFFFF90]  }
0xf7: {  	v25 =	vld [tilespmem:s30+$0xFFFFFF90]  }
0xf8: {  	v26 =	vld [tilespmem:s16+$0xFFFFFFB0]  }
0xf9: {  	v27 =	vld [tilespmem:s30+$0xFFFFFFB0]  }
0xfa: {  	v10 =	vsub.f32 v10, v13;
	v13 =	vld [tilespmem:s16+$0x10]  }
0xfb: {  	v28 =	vld [tilespmem:s30+$0x10]  }
0xfc: {  	v19 =	vmul.f32 v19, v19;
	v15 =	vadd.f32 v18, v15;
	v18 =	vld [tilespmem:s30+$0xFFFFFF50];
	v21 =	vmul.f32 v12, v21  }
0xfd: {  	v30 =	vld [tilespmem:s16+$0xFFFFFFD0];
	v10 =	vmul.f32 v10, v10;
	v11 =	vsub.f32 v11, v16  }
0xfe: {  	v63 =	vld [tilespmem:s30+$0x50];
	v19 =	vadd.f32 v19, v20;
	v20 =	vsub.f32 $1.500000000e+00, v21  }
0xff: {  	v16 =	vld [tilespmem:s16+$0x30];
	v14 =	vsub.f32 v14, v17;
	v8 =	vadd.f32 v10, v8;
	v10 =	vmul.f32 v11, v11  }
0x100: {  	v21 =	vld [tilespmem:s30+$0x30];
	v17 =	vmul.f32 $5.000000000e-01, v19;
	v12 =	vmul.f32 v12, v20;
	v22 =	vsub.f32 v22, v23  }
0x101: {  	v11 =	vld [tilespmem:s16+$0xFFFFFF50];
	v20 =	vshra.s32 v19, $0x1;
	v24 =	vsub.f32 v24, v25;
	v26 =	vsub.f32 v26, v27  }
0x102: {  	v23 =	vld [tilespmem:s16+$0x50];
	v13 =	vsub.f32 v13, v28;
	v14 =	vmul.f32 v14, v14;
	v29 =	vmul.f32 $5.000000000e-01, v8  }
0x103: {  	v10 =	vadd.f32 v10, v15;
	v15 =	vld [tilespmem:s30+$0xFFFFFFD0];
	v9 =	vmul.f32 v12, v9;
	v22 =	vmul.f32 v22, v22  }
0x104: {  	v12 =	vsub.s32 $0x5F3759DF, v20;
	v24 =	vmul.f32 v24, v24;
	v26 =	vmul.f32 v26, v26  }
0x105: {  	v20 =	vshra.s32 v8, $0x1;
	v13 =	vmul.f32 v13, v13;
	v17 =	vmul.f32 v12, v17  }
0x106: {  	v31 =	vmul.f32 $5.000000000e-01, v10;
	v20 =	vsub.s32 $0x5F3759DF, v20;
	v16 =	vsub.f32 v16, v21  }
0x107: {  	v32 =	vshra.s32 v10, $0x1;
	v29 =	vmul.f32 v20, v29;
	v11 =	vsub.f32 v11, v18  }
0x108: {  	v16 =	vmul.f32 v16, v16;
	v18 =	vsub.f32 v23, v63;
	v15 =	vsub.f32 v30, v15  }
0x109: {  	v14 =	vadd.f32 v22, v14;
	v21 =	vadd.f32 v26, v24;
	v11 =	vmul.f32 v11, v11  }
0x10a: {  	v13 =	vadd.f32 v16, v13;
	v16 =	vmul.f32 v18, v18;
	v15 =	vmul.f32 v15, v15  }
0x10b: {  	v22 =	vsub.s32 $0x5F3759DF, v32;
	v17 =	vmul.f32 v12, v17;
	v11 =	vadd.f32 v11, v14  }
0x10c: {  	v18 =	vmul.f32 v22, v31;
	v13 =	vadd.f32 v16, v13;
	v14 =	vadd.f32 v15, v21  }
0x10d: {  	v15 =	vsub.f32 $1.500000000e+00, v17;
	v16 =	vmul.f32 $5.000000000e-01, v11;
	v21 =	vshra.s32 v11, $0x1  }
0x10e: {  	v17 =	vmul.f32 v20, v29;
	v21 =	vsub.s32 $0x5F3759DF, v21;
	v34 =	vmul.f32 $5.000000000e-01, v13  }
0x10f: {  	v35 =	vshra.s32 v13, $0x1;
	v23 =	vmul.f32 $5.000000000e-01, v14;
	v16 =	vmul.f32 v21, v16  }
0x110: {  	v33 =	vshra.s32 v14, $0x1;
	v26 =	vsub.s32 $0x5F3759DF, v35;
	v17 =	vsub.f32 $1.500000000e+00, v17  }
0x111: {  	v24 =	vsub.s32 $0x5F3759DF, v33;
	v25 =	vmul.f32 v26, v34;
	v16 =	vmul.f32 v21, v16  }
0x112: {  	v18 =	vmul.f32 v22, v18;
	v23 =	vmul.f32 v24, v23  }
0x113: {  	s6 =	sadd.s32 $0x80, s7;
	v17 =	vmul.f32 v20, v17;
	v20 =	vmul.f32 v26, v25;
	v16 =	vsub.f32 $1.500000000e+00, v16  }
0x114: {  	s7 =	sor.u32 $0x70, s6;
	v18 =	vsub.f32 $1.500000000e+00, v18;
	v12 =	vmul.f32 v12, v15;
	v15 =	vmul.f32 v24, v23  }
0x115: {  	p1 =	seq.s32 s2, $0x24;
	[tilespmem:s7+$0x14C00] =	vst v9;
	v8 =	vmul.f32 v17, v8;
	v9 =	vsub.f32 $1.500000000e+00, v20;
	v16 =	vmul.f32 v21, v16  }
0x116: {  	s7 =	sadd.s32 @!p1 s14, s9;
	v18 =	vmul.f32 v22, v18;
	v12 =	vmul.f32 v12, v19;
	v15 =	vsub.f32 $1.500000000e+00, v15  }
0x117: {  	s7 =	smin.u32 @!p1 s7, $0x4935E;
	[tilespmem:s10+$0x14C00] =	vst v8;
	v8 =	vmul.f32 v26, v9;
	v9 =	vmul.f32 v16, v11  }
0x118: {  	s7 =	ssub.s32 @!p1 s7, s4;
	v10 =	vmul.f32 v18, v10;
	[tilespmem:s15+$0xFFFFFFD0] =	vst v12;
	v12 =	vmul.f32 v24, v15;
	v11 =	vlaneseq.u32 @!p1  }
0x119: {  	s11 =	sadd.s32 s4, s14;
	s16 =	sadd.s32 $0xFFFFFFC0, s6;
	s6 =	sadd.s32 $0xFFFFFFE0, s6;
	v8 =	vmul.f32 v8, v13;
	[tilespmem:s17+$0xFFFFFFD0] =	vst v9;
	v9 =	vadd.s32 @!p1 s7, v11  }
0x11a: {  	s11 =	smin.u32 s11, $0x4935E;
	s6 =	sor.u32 $0x50, s6;
	[tilespmem:s29+$0x14C00] =	vst v10;
	v10 =	vmul.f32 v12, v14  }
0x11b: {  	s10 =	sor.u32 $0x30, s16;
	s17 =	sshll.u32 s11, $0x2;
	[tilespmem:s6+$0x14C00] =	vst v8  }
0x11c: {  	s18 =	sadd.s32 s3, s17;
	s6 =	simm.s32 @!p1 $0x0;
	[tilespmem:s10+$0x14C00] =	vst v10  }
0x11d: {  	[hbm4b:s18+s5] =	stream.linear.scatter [tilespmem:s24], [sflag:$0x5], $0x1000, $0x38;
	[tilespmem:$0x16C00] =	vst v63  }
0x11e: {  	v8 =	vld.idx.msk @!p1 [tilespmem:v9+s6+$0x0], $0xffff;
	_ =	sdelay $0x4  }
0x11f: {  	s10 =	simm.s32 @!p1 $0x2500;
	[tilespmem:$0x4A00] =	vst @!p1 v8  }
0x120: {  	s11 =	sadd.s32 @!p1 $0x10, s7;
	v8 =	vld.idx.msk @!p1 [tilespmem:v9+s10+$0x0], $0xffff  }
0x121: {  	v9 =	vadd.s32 @!p1 s11, v11;
	_ =	sdelay $0x3  }
0x122: {  	[tilespmem:$0x4A80] =	vst @!p1 v8  }
0x123: {  	v8 =	vld.idx.msk @!p1 [tilespmem:v9+s6+$0x0], $0xffff;
	_ =	sdelay $0x4  }
0x124: {  	[tilespmem:$0x4A10] =	vst @!p1 v8  }
0x125: {  	s11 =	sor.u32 @!p1 $0x20, s7;
	v8 =	vld.idx.msk @!p1 [tilespmem:v9+s10+$0x0], $0xffff  }
0x126: {  	v9 =	vadd.s32 @!p1 s11, v11;
	_ =	sdelay $0x3  }
0x127: {  	[tilespmem:$0x4A90] =	vst @!p1 v8  }
0x128: {  	v8 =	vld.idx.msk @!p1 [tilespmem:v9+s6+$0x0], $0xffff;
	_ =	sdelay $0x4  }
0x129: {  	[tilespmem:$0x4A20] =	vst @!p1 v8  }
0x12a: {  	s11 =	sadd.s32 @!p1 $0x30, s7;
	v8 =	vld.idx.msk @!p1 [tilespmem:v9+s10+$0x0], $0xffff  }
0x12b: {  	v9 =	vadd.s32 @!p1 s11, v11;
	_ =	sdelay $0x3  }
0x12c: {  	[tilespmem:$0x4AA0] =	vst @!p1 v8  }
0x12d: {  	v8 =	vld.idx.msk @!p1 [tilespmem:v9+s6+$0x0], $0xffff;
	_ =	sdelay $0x4  }
0x12e: {  	[tilespmem:$0x4A30] =	vst @!p1 v8  }
0x12f: {  	s11 =	sadd.s32 @!p1 $0x40, s7;
	v8 =	vld.idx.msk @!p1 [tilespmem:v9+s10+$0x0], $0xffff  }
0x130: {  	v9 =	vadd.s32 @!p1 s11, v11;
	_ =	sdelay $0x3  }
0x131: {  	[tilespmem:$0x4AB0] =	vst @!p1 v8  }
0x132: {  	v8 =	vld.idx.msk @!p1 [tilespmem:v9+s6+$0x0], $0xffff;
	_ =	sdelay $0x4  }
0x133: {  	[tilespmem:$0x4A40] =	vst @!p1 v8  }
0x134: {  	s11 =	sadd.s32 @!p1 $0x50, s7;
	v8 =	vld.idx.msk @!p1 [tilespmem:v9+s10+$0x0], $0xffff  }
0x135: {  	v9 =	vadd.s32 @!p1 s11, v11;
	_ =	sdelay $0x3  }
0x136: {  	[tilespmem:$0x4AC0] =	vst @!p1 v8  }
0x137: {  	v8 =	vld.idx.msk @!p1 [tilespmem:v9+s6+$0x0], $0xffff;
	_ =	sdelay $0x4  }
0x138: {  	[tilespmem:$0x4A50] =	vst @!p1 v8  }
0x139: {  	s11 =	sadd.s32 @!p1 $0x60, s7;
	v8 =	vld.idx.msk @!p1 [tilespmem:v9+s10+$0x0], $0xffff  }
0x13a: {  	v9 =	vadd.s32 @!p1 s11, v11;
	_ =	sdelay $0x3  }
0x13b: {  	[tilespmem:$0x4AD0] =	vst @!p1 v8  }
0x13c: {  	v8 =	vld.idx.msk @!p1 [tilespmem:v9+s6+$0x0], $0xffff;
	_ =	sdelay $0x4  }
0x13d: {  	[tilespmem:$0x4A60] =	vst @!p1 v8  }
0x13e: {  	s7 =	sadd.s32 @!p1 $0x70, s7;
	v8 =	vld.idx.msk @!p1 [tilespmem:v9+s10+$0x0], $0xffff  }
0x13f: {  	v9 =	vadd.s32 @!p1 s7, v11;
	_ =	sdelay $0x3  }
0x140: {  	[tilespmem:$0x4AE0] =	vst @!p1 v8  }
0x141: {  	v8 =	vld.idx.msk @!p1 [tilespmem:v9+s6+$0x0], $0xffff;
	_ =	sdelay $0x4  }
0x142: {  	[tilespmem:$0x4A70] =	vst @!p1 v8  }
0x143: {  	v8 =	vld.idx.msk @!p1 [tilespmem:v9+s10+$0x0], $0xffff;
	_ =	sdelay $0x4  }
0x144: {  	s7 =	simm.s32 @!p1 $0x4A00;
	s6 =	simm.s32 @!p1 $0x80;
	s10 =	simm.s32 @!p1 $0x4C00;
	[tilespmem:$0x4AF0] =	vst @!p1 v8  }
0x145: {  	[tilespmem:s10], [sflag:$0x1] =	stream.indirect.gather @!p1 [hbm4b:s1+s6], $0x80, s7, s6, $0xb8;
	[tilespmem:$0x16C00] =	vst v63  }
0x146: {  	s7 =	simm.s32 @!p1 $0x4A80;
	s10 =	simm.s32 @!p1 $0xCC00  }
0x147: {  	[tilespmem:s10], [sflag:$0x3] =	stream.indirect.gather @!p1 [hbm4b:s1+s6], $0x80, s7, s6, $0xb8;
	[tilespmem:$0x16C00] =	vst v63  }
0x148: {  	_ =	swait.ge [sflag:s25], $0x4000  }
0x149: {  	[sflag:s25] =	ssyncset.done $0x0  }
0x14a: {  	[sflag:s25] =	ssyncadd.s32 $0xFFFFC000  }
0x14b: {  	_ =	swait.ge [sflag:s26], $0x4000  }
0x14c: {  	[sflag:s26] =	ssyncset.done $0x0  }
0x14d: {  	s6 =	simm.s32 @!p0 $0x6;
	[sflag:s26] =	ssyncadd.s32 $0xFFFFC000  }
0x14e: {  	_ =	swait.ge @!p0 [sflag:s6], $0x1000  }
0x14f: {  	[sflag:s6] =	ssyncset.done @!p0 $0x0  }
0x150: {  	s19 =	simm.s32 $0x8D00;
	[sflag:s6] =	ssyncadd.s32 @!p0 $0xFFFFF000  }
0x151: {  	s20 =	simm.s32 $0x10D00;
	v8 =	vld [tilespmem:s19+$0x80]  }
0x152: {  	v9 =	vld [tilespmem:s20+$0x80]  }
0x153: {  	v10 =	vld [tilespmem:s19+$0xA0]  }
0x154: {  	v11 =	vld [tilespmem:s20+$0xA0]  }
0x155: {  	v12 =	vld [tilespmem:s19+$0xC0]  }
0x156: {  	v13 =	vld [tilespmem:s20+$0xC0];
	_ =	sdelay $0x2  }
0x157: {  	v8 =	vsub.f32 v8, v9;
	v9 =	vsub.f32 v10, v11  }
0x158: {  	v16 =	vld [tilespmem:s19+$0xFFFFFF40]  }
0x159: {  	v17 =	vld [tilespmem:s20+$0xFFFFFF40];
	v10 =	vsub.f32 v12, v13;
	v8 =	vmul.f32 v8, v8;
	v9 =	vmul.f32 v9, v9  }
0x15a: {  	v18 =	vld [tilespmem:s20+$0xFFFFFF80]  }
0x15b: {  	v11 =	vld [tilespmem:s20+$0xFFFFFF00];
	v8 =	vadd.f32 v9, v8;
	v9 =	vmul.f32 v10, v10  }
0x15c: {  	v12 =	vld [tilespmem:s19+$0xFFFFFF20]  }
0x15d: {  	v10 =	vld [tilespmem:s20+$0xFFFFFF20];
	v8 =	vadd.f32 v9, v8  }
0x15e: {  	v9 =	vld [tilespmem:s19+$0xFFFFFF00]  }
0x15f: {  	v19 =	vld [tilespmem:s19+$0xFFFFFFA0];
	v14 =	vmul.f32 $5.000000000e-01, v8;
	v15 =	vshra.s32 v8, $0x1  }
0x160: {  	v20 =	vld [tilespmem:s20+$0x0];
	v15 =	vsub.s32 $0x5F3759DF, v15  }
0x161: {  	s15 =	simm.s32 $0x8F00;
	v21 =	vld [tilespmem:s20+$0x20];
	v14 =	vmul.f32 v15, v14  }
0x162: {  	v39 =	vld [tilespmem:s15+$0xFFFFFF20]  }
0x163: {  	v40 =	vld [tilespmem:s15+$0xFFFFFF80];
	v10 =	vsub.f32 v12, v10;
	v9 =	vsub.f32 v9, v11;
	v14 =	vmul.f32 v15, v14  }
0x164: {  	v16 =	vsub.f32 v16, v17;
	v17 =	vld [tilespmem:s19+$0x20]  }
0x165: {  	s6 =	simm.s32 $0x10F00;
	v41 =	vld [tilespmem:s15+$0xFFFFFFA0];
	v10 =	vmul.f32 v10, v10;
	v9 =	vmul.f32 v9, v9;
	v14 =	vsub.f32 $1.500000000e+00, v14  }
0x166: {  	v42 =	vld [tilespmem:s6+$0xFFFFFFA0]  }
0x167: {  	v43 =	vld [tilespmem:s15+$0x0];
	v9 =	vadd.f32 v10, v9;
	v10 =	vmul.f32 v16, v16;
	v14 =	vmul.f32 v15, v14  }
0x168: {  	v13 =	vld [tilespmem:s19+$0xFFFFFF80]  }
0x169: {  	v17 =	vsub.f32 v17, v21;
	v21 =	vld [tilespmem:s6+$0xFFFFFF00];
	v9 =	vadd.f32 v10, v9;
	v8 =	vmul.f32 v14, v8  }
0x16a: {  	s14 =	simm.s32 $0x15C40;
	v12 =	vld [tilespmem:s20+$0xFFFFFFA0]  }
0x16b: {  	v11 =	vld [tilespmem:s19+$0x0];
	v22 =	vshra.s32 v9, $0x1;
	[tilespmem:s14+$0x20] =	vst v8;
	v8 =	vmul.f32 $5.000000000e-01, v9  }
0x16c: {  	v16 =	vld [tilespmem:s20+$0xFFFFFFC0];
	v22 =	vsub.s32 $0x5F3759DF, v22  }
0x16d: {  	v15 =	vld [tilespmem:s19+$0xFFFFFFC0];
	v8 =	vmul.f32 v22, v8  }
0x16e: {  	v10 =	vld [tilespmem:s19+$0x40]  }
0x16f: {  	v14 =	vld [tilespmem:s20+$0x40];
	v8 =	vmul.f32 v22, v8  }
0x170: {  	v13 =	vsub.f32 v13, v18;
	v11 =	vsub.f32 v11, v20;
	v20 =	vld [tilespmem:s15+$0x80]  }
0x171: {  	v12 =	vsub.f32 v19, v12;
	v23 =	vld [tilespmem:s19+$0x90];
	v8 =	vsub.f32 $1.500000000e+00, v8  }
0x172: {  	v13 =	vmul.f32 v13, v13;
	v36 =	vld [tilespmem:s20+$0x90]  }
0x173: {  	v12 =	vmul.f32 v12, v12;
	v15 =	vsub.f32 v15, v16;
	v16 =	vld [tilespmem:s6+$0x80];
	v8 =	vmul.f32 v22, v8  }
0x174: {  	v17 =	vmul.f32 v17, v17;
	v11 =	vmul.f32 v11, v11;
	v10 =	vsub.f32 v10, v14;
	v14 =	vld [tilespmem:s15+$0xA0]  }
0x175: {  	v12 =	vadd.f32 v12, v13;
	v13 =	vmul.f32 v15, v15;
	v8 =	vmul.f32 v8, v9;
	v9 =	vld [tilespmem:s6+$0xA0]  }
0x176: {  	v15 =	vld [tilespmem:s15+$0xC0]  }
0x177: {  	v11 =	vadd.f32 v17, v11;
	v10 =	vmul.f32 v10, v10;
	v12 =	vadd.f32 v13, v12;
	[tilespmem:s14+$0xFFFFFFC0] =	vst v8;
	v8 =	vld [tilespmem:s6+$0xC0]  }
0x178: {  	v37 =	vld [tilespmem:s19+$0xB0];
	v16 =	vsub.f32 v20, v16  }
0x179: {  	v38 =	vld [tilespmem:s20+$0xB0];
	v10 =	vadd.f32 v10, v11;
	v13 =	vmul.f32 $5.000000000e-01, v12;
	v17 =	vshra.s32 v12, $0x1  }
0x17a: {  	v18 =	vld [tilespmem:s19+$0xD0];
	v9 =	vsub.f32 v14, v9;
	v14 =	vsub.s32 $0x5F3759DF, v17  }
0x17b: {  	v19 =	vld [tilespmem:s20+$0xD0];
	v16 =	vmul.f32 v16, v16;
	v22 =	vshra.s32 v10, $0x1;
	v13 =	vmul.f32 v14, v13  }
0x17c: {  	v20 =	vsub.s32 $0x5F3759DF, v22;
	v22 =	vld [tilespmem:s6+$0xFFFFFF20];
	v9 =	vmul.f32 v9, v9;
	v8 =	vsub.f32 v15, v8  }
0x17d: {  	v11 =	vld [tilespmem:s19+$0xFFFFFF10];
	v17 =	vmul.f32 $5.000000000e-01, v10;
	v13 =	vmul.f32 v14, v13  }
0x17e: {  	v52 =	vld [tilespmem:s20+$0xFFFFFF10];
	v9 =	vadd.f32 v9, v16;
	v8 =	vmul.f32 v8, v8;
	v16 =	vsub.f32 v37, v38  }
0x17f: {  	v23 =	vsub.f32 v23, v36;
	v15 =	vmul.f32 v20, v17;
	v17 =	vld [tilespmem:s6+$0xFFFFFF80];
	v13 =	vsub.f32 $1.500000000e+00, v13  }
0x180: {  	v8 =	vadd.f32 v8, v9;
	v9 =	vmul.f32 v16, v16;
	v16 =	vsub.f32 v18, v19;
	v18 =	vld [tilespmem:s6+$0x0]  }
0x181: {  	v23 =	vmul.f32 v23, v23;
	v15 =	vmul.f32 v20, v15;
	v19 =	vld [tilespmem:s15+$0x20]  }
0x182: {  	v13 =	vmul.f32 v14, v13;
	v14 =	vld [tilespmem:s15+$0xFFFFFF00];
	v44 =	vmul.f32 $5.000000000e-01, v8  }
0x183: {  	v45 =	vshra.s32 v8, $0x1;
	v9 =	vadd.f32 v9, v23;
	v16 =	vmul.f32 v16, v16;
	v23 =	vld [tilespmem:s6+$0x20]  }
0x184: {  	v30 =	vsub.s32 $0x5F3759DF, v45;
	v12 =	vmul.f32 v13, v12;
	v13 =	vld [tilespmem:s6+$0xFFFFFF40]  }
0x185: {  	v15 =	vsub.f32 $1.500000000e+00, v15;
	v29 =	vmul.f32 v30, v44;
	v9 =	vadd.f32 v16, v9;
	v16 =	vld [tilespmem:s15+$0xFFFFFF40]  }
0x186: {  	v48 =	vld [tilespmem:s15+$0xFFFFFFC0];
	v24 =	vsub.f32 v41, v42;
	v22 =	vsub.f32 v39, v22  }
0x187: {  	v49 =	vld [tilespmem:s6+$0xFFFFFFC0];
	v17 =	vsub.f32 v40, v17;
	v15 =	vmul.f32 v20, v15;
	v20 =	vmul.f32 v30, v29  }
0x188: {  	v50 =	vld [tilespmem:s15+$0x40];
	v22 =	vmul.f32 v22, v22;
	v11 =	vsub.f32 v11, v52;
	v14 =	vsub.f32 v14, v21  }
0x189: {  	v17 =	vmul.f32 v17, v17;
	[tilespmem:s14+$0xFFFFFFE0] =	vst v12;
	v12 =	vsub.f32 v19, v23;
	v19 =	vld [tilespmem:s20+$0xFFFFFF30];
	v20 =	vsub.f32 $1.500000000e+00, v20  }
0x18a: {  	v18 =	vsub.f32 v43, v18;
	v46 =	vmul.f32 $5.000000000e-01, v9;
	v13 =	vsub.f32 v16, v13;
	v16 =	vld [tilespmem:s19+$0xFFFFFF30]  }
0x18b: {  	v51 =	vld [tilespmem:s6+$0x40];
	v47 =	vshra.s32 v9, $0x1;
	v14 =	vmul.f32 v14, v14;
	v20 =	vmul.f32 v30, v20  }
0x18c: {  	v21 =	vmul.f32 v24, v24;
	v31 =	vsub.s32 $0x5F3759DF, v47;
	v18 =	vmul.f32 v18, v18  }
0x18d: {  	v29 =	vmul.f32 v31, v46;
	v14 =	vadd.f32 v22, v14;
	v22 =	vld [tilespmem:s20+$0xFFFFFF90];
	v8 =	vmul.f32 v20, v8  }
0x18e: {  	s16 =	simm.s32 $0x15CC0;
	v17 =	vadd.f32 v21, v17;
	v21 =	vsub.f32 v48, v49;
	v13 =	vmul.f32 v13, v13;
	v20 =	vld [tilespmem:s19+$0xFFFFFF90]  }
0x18f: {  	v12 =	vmul.f32 v12, v12;
	v29 =	vmul.f32 v31, v29;
	[tilespmem:s16+$0x20] =	vst v8;
	v16 =	vsub.f32 v16, v19;
	v19 =	vld [tilespmem:s19+$0xFFFFFFB0]  }
0x190: {  	v23 =	vsub.f32 v50, v51;
	v21 =	vmul.f32 v21, v21;
	v13 =	vadd.f32 v13, v14;
	v14 =	vld [tilespmem:s15+$0x90]  }
0x191: {  	v12 =	vadd.f32 v12, v18;
	v8 =	vmul.f32 v15, v10;
	v10 =	vsub.f32 $1.500000000e+00, v29;
	v18 =	vld [tilespmem:s6+$0x90]  }
0x192: {  	v62 =	vmul.f32 v11, v11;
	v15 =	vadd.f32 v21, v17;
	v17 =	vmul.f32 v23, v23;
	v23 =	vld [tilespmem:s15+$0xB0]  }
0x193: {  	v21 =	vmul.f32 $5.000000000e-01, v13;
	v53 =	vshra.s32 v13, $0x1;
	v56 =	vld [tilespmem:s15+$0xD0];
	v10 =	vmul.f32 v31, v10  }
0x194: {  	v54 =	vshra.s32 v15, $0x1;
	v12 =	vadd.f32 v17, v12;
	v17 =	vld [tilespmem:s6+$0xB0];
	v24 =	vsub.s32 $0x5F3759DF, v53  }
0x195: {  	v59 =	vld [tilespmem:s6+$0xD0];
	v55 =	vmul.f32 $5.000000000e-01, v15;
	v25 =	vsub.s32 $0x5F3759DF, v54;
	v21 =	vmul.f32 v24, v21  }
0x196: {  	[tilespmem:s14+$0x0] =	vst v8;
	v8 =	vsub.f32 v20, v22;
	v20 =	vld [tilespmem:s20+$0xFFFFFFB0];
	v57 =	vmul.f32 $5.000000000e-01, v12;
	v58 =	vshra.s32 v12, $0x1  }
0x197: {  	v26 =	vmul.f32 v25, v55;
	v29 =	vsub.s32 $0x5F3759DF, v58;
	v21 =	vmul.f32 v24, v21  }
0x198: {  	v60 =	vmul.f32 v10, v9;
	v22 =	vmul.f32 v29, v57;
	v9 =	vsub.f32 v14, v18;
	v14 =	vld [tilespmem:s19+$0x10]  }
0x199: {  	v18 =	vld [tilespmem:s20+$0x10];
	v10 =	vsub.f32 v23, v17;
	v17 =	vmul.f32 v25, v26;
	v21 =	vsub.f32 $1.500000000e+00, v21  }
0x19a: {  	v61 =	vld [tilespmem:s19+$0x30];
	v23 =	vsub.f32 v56, v59;
	v22 =	vmul.f32 v29, v22;
	v9 =	vmul.f32 v9, v9  }
0x19b: {  	v19 =	vsub.f32 v19, v20;
	v10 =	vmul.f32 v10, v10;
	v11 =	vmul.f32 v24, v21;
	v21 =	vld [tilespmem:s20+$0x30]  }
0x19c: {  	v63 =	vmul.f32 v16, v16;
	v20 =	vld [tilespmem:s20+$0xFFFFFF50];
	v17 =	vsub.f32 $1.500000000e+00, v17;
	v16 =	vsub.f32 $1.500000000e+00, v22  }
0x19d: {  	v8 =	vmul.f32 v8, v8;
	v23 =	vmul.f32 v23, v23;
	v22 =	vld [tilespmem:s19+$0xFFFFFF50];
	v9 =	vadd.f32 v10, v9  }
0x19e: {  	s17 =	simm.s32 $0x60;
	v17 =	vmul.f32 v25, v17;
	v10 =	vld [tilespmem:s19+$0xFFFFFFD0];
	v14 =	vsub.f32 v14, v18;
	v16 =	vmul.f32 v29, v16  }
0x19f: {  	s21 =	sor.u32 $0x70, s17;
	v13 =	vmul.f32 v11, v13;
	v11 =	vld [tilespmem:s20+$0xFFFFFFD0];
	v9 =	vadd.f32 v23, v9;
	v23 =	vmul.f32 v19, v19  }
0x1a0: {  	[tilespmem:s21+$0x15C00] =	vst v60;
	v17 =	vmul.f32 v17, v15;
	v15 =	vld [tilespmem:s20+$0x50];
	v19 =	vmul.f32 v16, v12;
	v18 =	vsub.f32 v61, v21  }
0x1a1: {  	s31 =	simm.s32 $0x20;
	[tilespmem:s16+$0xFFFFFFC0] =	vst v13;
	v12 =	vld [tilespmem:s19+$0x50];
	v16 =	vmul.f32 v14, v14;
	v21 =	vmul.f32 $5.000000000e-01, v9;
	v13 =	vshra.s32 v9, $0x1  }
0x1a2: {  	s30 =	simm.s32 $0x9100;
	s29 =	simm.s32 $0x10F00;
	s18 =	simm.s32 $0x40;
	v14 =	vld [tilespmem:s15+$0xFFFFFF10];
	[tilespmem:s16+$0xFFFFFFE0] =	vst v17;
	v20 =	vsub.f32 v22, v20;
	v13 =	vsub.s32 $0x5F3759DF, v13;
	v18 =	vmul.f32 v18, v18  }
0x1a3: {  	s11 =	simm.s32 $0x4;
	s7 =	sor.u32 $0x30, s31;
	s10 =	sor.u32 $0x50, s18;
	v17 =	vld [tilespmem:s6+$0xFFFFFF10];
	v8 =	vadd.f32 v23, v8;
	[tilespmem:s16+$0x0] =	vst v19;
	v19 =	vadd.f32 v63, v62;
	v21 =	vmul.f32 v13, v21  }
.LBB2_5:
0x1a4: {  	v22 =	vld [tilespmem:s30+$0x80];
	s6 =	sadd.s32 $0x200, s6;
	v20 =	vmul.f32 v20, v20;
	v10 =	vsub.f32 v10, v11;
	v11 =	vadd.f32 v18, v16  }
0x1a5: {  	v16 =	vld [tilespmem:s6+$0x80];
	v18 =	vmul.f32 v13, v21  }
0x1a6: {  	v21 =	vld [tilespmem:s30+$0xA0];
	v19 =	vadd.f32 v20, v19;
	v10 =	vmul.f32 v10, v10;
	v12 =	vsub.f32 v12, v15  }
0x1a7: {  	v15 =	vld [tilespmem:s6+$0xA0];
	v18 =	vsub.f32 $1.500000000e+00, v18  }
0x1a8: {  	v20 =	vld [tilespmem:s30+$0xC0];
	v14 =	vsub.f32 v14, v17;
	v10 =	vadd.f32 v10, v8;
	v12 =	vmul.f32 v12, v12  }
0x1a9: {  	v23 =	vshra.s32 v19, $0x1;
	v17 =	vld [tilespmem:s6+$0xC0];
	v13 =	vmul.f32 v13, v18;
	v18 =	vmul.f32 $5.000000000e-01, v19  }
0x1aa: {  	s11 =	sadd.s32 $0x4, s11;
	v24 =	vld [tilespmem:s6+$0xFFFFFF00];
	v8 =	vmul.f32 v14, v14;
	v14 =	vmul.f32 $5.000000000e-01, v10;
	v11 =	vadd.f32 v12, v11  }
0x1ab: {  	s17 =	sadd.s32 $0x80, s17;
	p0 =	slt.u32 s11, $0x7C;
	v12 =	vld [tilespmem:s30+$0xFFFFFF20];
	v9 =	vmul.f32 v13, v9;
	v13 =	vsub.s32 $0x5F3759DF, v23;
	v23 =	vshra.s32 v10, $0x1  }
0x1ac: {  	s18 =	sadd.s32 $0xFFFFFFC0, s17;
	s20 =	sadd.s32 $0xFFFFFFE0, s17;
	s21 =	sor.u32 $0x70, s17;
	v16 =	vsub.f32 v22, v16;
	v25 =	vld [tilespmem:s6+$0xFFFFFF20];
	v15 =	vsub.f32 v21, v15;
	v21 =	vmul.f32 $5.000000000e-01, v11  }
0x1ad: {  	s19 =	sor.u32 $0x30, s18;
	s18 =	sor.u32 $0x50, s20;
	v22 =	vld [tilespmem:s30+$0xFFFFFF80];
	[tilespmem:s21+$0x15C00] =	vst v9;
	v9 =	vmul.f32 v13, v18;
	v18 =	vsub.s32 $0x5F3759DF, v23;
	v23 =	vshra.s32 v11, $0x1  }
0x1ae: {  	v16 =	vmul.f32 v16, v16;
	v26 =	vld [tilespmem:s6+$0xFFFFFF80];
	v15 =	vmul.f32 v15, v15;
	v17 =	vsub.f32 v20, v17  }
0x1af: {  	v14 =	vmul.f32 v18, v14;
	v23 =	vsub.s32 $0x5F3759DF, v23;
	v20 =	vld [tilespmem:s30+$0xFFFFFFA0];
	v9 =	vmul.f32 v13, v9  }
0x1b0: {  	v27 =	vld [tilespmem:s6+$0xFFFFFFA0];
	v15 =	vadd.f32 v15, v16;
	v16 =	vmul.f32 v17, v17;
	v17 =	vmul.f32 v23, v21  }
0x1b1: {  	v14 =	vmul.f32 v18, v14;
	v12 =	vsub.f32 v12, v25;
	v21 =	vld [tilespmem:s30+$0x0];
	v9 =	vsub.f32 $1.500000000e+00, v9  }
0x1b2: {  	v25 =	vld [tilespmem:s6+$0x0];
	v15 =	vadd.f32 v16, v15;
	v16 =	vmul.f32 v23, v17  }
0x1b3: {  	v14 =	vsub.f32 $1.500000000e+00, v14;
	v12 =	vmul.f32 v12, v12;
	v17 =	vsub.f32 v22, v26;
	v22 =	vld [tilespmem:s30+$0x20]  }
0x1b4: {  	v26 =	vld [tilespmem:s6+$0x20];
	v28 =	vmul.f32 $5.000000000e-01, v15;
	v29 =	vshra.s32 v15, $0x1;
	v16 =	vsub.f32 $1.500000000e+00, v16  }
0x1b5: {  	v30 =	vld [tilespmem:s30+$0xFFFFFF00];
	v17 =	vmul.f32 v17, v17;
	v20 =	vsub.f32 v20, v27;
	v27 =	vsub.s32 $0x5F3759DF, v29  }
0x1b6: {  	v9 =	vmul.f32 v13, v9;
	v29 =	vld [tilespmem:s30+$0xFFFFFF40];
	v28 =	vmul.f32 v27, v28  }
0x1b7: {  	v14 =	vmul.f32 v18, v14;
	v13 =	vld [tilespmem:s6+$0xFFFFFF40];
	v20 =	vmul.f32 v20, v20;
	v21 =	vsub.f32 v21, v25  }
0x1b8: {  	v16 =	vmul.f32 v23, v16;
	v18 =	vld [tilespmem:s30+$0xFFFFFFC0];
	v25 =	vmul.f32 v27, v28  }
0x1b9: {  	v17 =	vadd.f32 v20, v17;
	v20 =	vld [tilespmem:s6+$0xFFFFFFC0];
	v21 =	vmul.f32 v21, v21;
	v22 =	vsub.f32 v22, v26  }
0x1ba: {  	v9 =	vmul.f32 v9, v19;
	v23 =	vsub.f32 v30, v24;
	v24 =	vld [tilespmem:s30+$0x40];
	v25 =	vsub.f32 $1.500000000e+00, v25  }
0x1bb: {  	v10 =	vmul.f32 v14, v10;
	v19 =	vmul.f32 v22, v22;
	v22 =	vld [tilespmem:s6+$0x40]  }
0x1bc: {  	v14 =	vmul.f32 v23, v23;
	v13 =	vsub.f32 v29, v13;
	v23 =	vmul.f32 v27, v25;
	v25 =	vld [tilespmem:s15+$0xFFFFFF30];
	[tilespmem:s14+$0xFFFFFFD0] =	vst v9;
	s14 =	smov.u32 s16  }
0x1bd: {  	v9 =	vadd.f32 v19, v21;
	v19 =	vld [tilespmem:s29+$0xFFFFFF30];
	[tilespmem:s7+$0x15C00] =	vst v10;
	v10 =	vmul.f32 v16, v11;
	s7 =	smov.u32 s19  }
0x1be: {  	v11 =	vadd.f32 v12, v14;
	v12 =	vsub.f32 v18, v20;
	v14 =	vmul.f32 v23, v15;
	v15 =	vld [tilespmem:s15+$0xFFFFFF90]  }
0x1bf: {  	s16 =	sadd.s32 $0x80, s16;
	v13 =	vmul.f32 v13, v13;
	v16 =	vld [tilespmem:s29+$0xFFFFFF90];
	[tilespmem:s10+$0x15C00] =	vst v10;
	s10 =	smov.u32 s18  }
0x1c0: {  	v10 =	vmul.f32 v12, v12;
	v12 =	vsub.f32 v24, v22;
	[tilespmem:s16+$0x20] =	vst v14;
	v14 =	vld [tilespmem:s15+$0xFFFFFFB0]  }
0x1c1: {  	v11 =	vadd.f32 v13, v11;
	v13 =	vld [tilespmem:s30+$0x90]  }
0x1c2: {  	v17 =	vadd.f32 v10, v17;
	v10 =	vmul.f32 v12, v12;
	v12 =	vld [tilespmem:s6+$0x90];
	v18 =	vsub.f32 v25, v19  }
0x1c3: {  	v19 =	vmul.f32 $5.000000000e-01, v11;
	v20 =	vshra.s32 v11, $0x1;
	v21 =	vld [tilespmem:s30+$0xB0]  }
0x1c4: {  	v22 =	vmul.f32 $5.000000000e-01, v17;
	v23 =	vshra.s32 v17, $0x1;
	v24 =	vadd.f32 v10, v9;
	v9 =	vld [tilespmem:s6+$0xB0]  }
0x1c5: {  	v10 =	vsub.s32 $0x5F3759DF, v20;
	v15 =	vsub.f32 v15, v16;
	v20 =	vsub.s32 $0x5F3759DF, v23;
	v23 =	vld [tilespmem:s30+$0xD0]  }
0x1c6: {  	v16 =	vmul.f32 v10, v19;
	v19 =	vmul.f32 $5.000000000e-01, v24;
	v25 =	vshra.s32 v24, $0x1;
	v26 =	vld [tilespmem:s6+$0xD0]  }
0x1c7: {  	v27 =	vmul.f32 v18, v18;
	v22 =	vmul.f32 v20, v22;
	v25 =	vsub.s32 $0x5F3759DF, v25;
	v18 =	vld [tilespmem:s29+$0xFFFFFFB0]  }
0x1c8: {  	v16 =	vmul.f32 v10, v16;
	v19 =	vmul.f32 v25, v19;
	v28 =	vld [tilespmem:s15+$0x10]  }
0x1c9: {  	v12 =	vsub.f32 v13, v12;
	v22 =	vmul.f32 v20, v22;
	v9 =	vsub.f32 v21, v9;
	v13 =	vld [tilespmem:s29+$0x10]  }
0x1ca: {  	v29 =	vmul.f32 v15, v15;
	v16 =	vsub.f32 $1.500000000e+00, v16;
	v19 =	vmul.f32 v25, v19;
	v15 =	vld [tilespmem:s15+$0x30]  }
0x1cb: {  	v12 =	vmul.f32 v12, v12;
	v9 =	vmul.f32 v9, v9;
	v21 =	vsub.f32 v23, v26;
	v23 =	vld [tilespmem:s29+$0x30]  }
0x1cc: {  	v16 =	vmul.f32 v10, v16;
	v10 =	vsub.f32 $1.500000000e+00, v22;
	v19 =	vsub.f32 $1.500000000e+00, v19;
	v22 =	vld [tilespmem:s15+$0xFFFFFF50]  }
0x1cd: {  	v14 =	vsub.f32 v14, v18;
	v9 =	vadd.f32 v9, v12;
	v12 =	vmul.f32 v21, v21;
	v21 =	vld [tilespmem:s29+$0xFFFFFF50]  }
0x1ce: {  	v18 =	vmul.f32 v20, v10;
	v19 =	vmul.f32 v25, v19;
	v10 =	vld [tilespmem:s15+$0xFFFFFFD0];
	v13 =	vsub.f32 v28, v13  }
.Ltmp1:
0x1cf: {  	v16 =	vmul.f32 v16, v11;
	v25 =	vmul.f32 v14, v14;
	v9 =	vadd.f32 v12, v9;
	v11 =	vld [tilespmem:s29+$0xFFFFFFD0];
	(pc) =	sbr.rel @p0 .LBB2_5-.Ltmp1, $4  }
0x1d0: {  	v17 =	vmul.f32 v18, v17;
	v19 =	vmul.f32 v19, v24;
	v18 =	vsub.f32 v15, v23;
	v12 =	vld [tilespmem:s15+$0x50];
	s15 =	smov.u32 s30  }
0x1d1: {  	[tilespmem:s16+$0xFFFFFFC0] =	vst v16;
	v23 =	vmul.f32 $5.000000000e-01, v9;
	v20 =	vshra.s32 v9, $0x1;
	v16 =	vmul.f32 v13, v13;
	v15 =	vld [tilespmem:s29+$0x50];
	s29 =	smov.u32 s6  }
0x1d2: {  	v14 =	vld [tilespmem:s30+$0xFFFFFF10];
	[tilespmem:s16+$0xFFFFFFE0] =	vst v17;
	v13 =	vsub.s32 $0x5F3759DF, v20;
	v20 =	vsub.f32 v22, v21;
	v18 =	vmul.f32 v18, v18  }
0x1d3: {  	s30 =	sadd.s32 $0x200, s30;
	v17 =	vld [tilespmem:s6+$0xFFFFFF10];
	[tilespmem:s16+$0x0] =	vst v19;
	v21 =	vmul.f32 v13, v23;
	v19 =	vadd.f32 v27, v8;
	v8 =	vadd.f32 v25, v29  }
0x1d4: {  	v22 =	vld [tilespmem:s15+$0xFFFFFF30]  }
0x1d5: {  	v23 =	vld [tilespmem:s29+$0xFFFFFF30]  }
0x1d6: {  	v24 =	vld [tilespmem:s15+$0xFFFFFF90]  }
0x1d7: {  	v25 =	vld [tilespmem:s29+$0xFFFFFF90]  }
0x1d8: {  	v26 =	vld [tilespmem:s15+$0xFFFFFFB0]  }
0x1d9: {  	v27 =	vld [tilespmem:s29+$0xFFFFFFB0]  }
0x1da: {  	v28 =	vld [tilespmem:s15+$0x10]  }
0x1db: {  	v61 =	vld [tilespmem:s29+$0x10]  }
0x1dc: {  	v29 =	vld [tilespmem:s15+$0x30]  }
0x1dd: {  	v30 =	vld [tilespmem:s29+$0x30]  }
0x1de: {  	v10 =	vsub.f32 v10, v11;
	v62 =	vmul.f32 v20, v20;
	v32 =	vld [tilespmem:s15+$0xFFFFFF50]  }
0x1df: {  	v37 =	vld [tilespmem:s15+$0xFFFFFFD0];
	v21 =	vmul.f32 v13, v21;
	v60 =	vsub.f32 v12, v15  }
0x1e0: {  	v16 =	vadd.f32 v18, v16;
	v40 =	vld [tilespmem:s29+$0xFFFFFFD0];
	v10 =	vmul.f32 v10, v10;
	v15 =	vadd.f32 v62, v19  }
0x1e1: {  	v43 =	vld [tilespmem:s15+$0x50];
	v63 =	vsub.f32 $1.500000000e+00, v21;
	v11 =	vmul.f32 v60, v60;
	v14 =	vsub.f32 v14, v17  }
0x1e2: {  	v44 =	vld [tilespmem:s29+$0x50];
	v8 =	vadd.f32 v10, v8;
	v35 =	vmul.f32 $5.000000000e-01, v15;
	v38 =	vshra.s32 v15, $0x1  }
0x1e3: {  	v34 =	vld [tilespmem:s29+$0xFFFFFF50];
	v31 =	vmul.f32 v13, v63;
	v36 =	vsub.f32 v22, v23;
	v39 =	vsub.f32 v24, v25  }
0x1e4: {  	v41 =	vsub.f32 v26, v27;
	v12 =	vsub.f32 v28, v61;
	v20 =	vsub.s32 $0x5F3759DF, v38  }
0x1e5: {  	v18 =	vsub.f32 v29, v30;
	v19 =	vsub.f32 v37, v40;
	v14 =	vmul.f32 v14, v14  }
0x1e6: {  	v33 =	vadd.f32 v11, v16;
	v42 =	vmul.f32 $5.000000000e-01, v8;
	v16 =	vmul.f32 v20, v35  }
0x1e7: {  	v21 =	vsub.f32 v43, v44;
	v9 =	vmul.f32 v31, v9;
	v13 =	vmul.f32 v36, v36  }
0x1e8: {  	v11 =	vsub.f32 v32, v34;
	v22 =	vmul.f32 v39, v39;
	v24 =	vmul.f32 v41, v41  }
0x1e9: {  	v45 =	vshra.s32 v8, $0x1;
	v12 =	vmul.f32 v12, v12;
	v18 =	vmul.f32 v18, v18  }
0x1ea: {  	v17 =	vsub.s32 $0x5F3759DF, v45;
	v19 =	vmul.f32 v19, v19;
	v48 =	vmul.f32 v21, v21  }
0x1eb: {  	v46 =	vmul.f32 $5.000000000e-01, v33;
	v16 =	vmul.f32 v20, v16;
	v47 =	vshra.s32 v33, $0x1  }
0x1ec: {  	v11 =	vmul.f32 v11, v11;
	v13 =	vadd.f32 v13, v14;
	v22 =	vadd.f32 v24, v22  }
0x1ed: {  	v25 =	vmul.f32 v17, v42;
	v23 =	vsub.s32 $0x5F3759DF, v47;
	v12 =	vadd.f32 v18, v12  }
0x1ee: {  	v14 =	vmul.f32 v23, v46;
	v11 =	vadd.f32 v11, v13;
	v49 =	vadd.f32 v19, v22  }
0x1ef: {  	v16 =	vsub.f32 $1.500000000e+00, v16;
	v50 =	vmul.f32 v17, v25;
	v12 =	vadd.f32 v48, v12  }
0x1f0: {  	v51 =	vmul.f32 $5.000000000e-01, v11;
	v52 =	vshra.s32 v11, $0x1;
	v22 =	vmul.f32 $5.000000000e-01, v49  }
0x1f1: {  	v53 =	vshra.s32 v49, $0x1;
	v54 =	vmul.f32 $5.000000000e-01, v12;
	v21 =	vsub.s32 $0x5F3759DF, v52  }
0x1f2: {  	v55 =	vshra.s32 v12, $0x1;
	v24 =	vsub.s32 $0x5F3759DF, v53;
	v18 =	vmul.f32 v21, v51  }
0x1f3: {  	v14 =	vmul.f32 v23, v14;
	v26 =	vsub.s32 $0x5F3759DF, v55;
	v22 =	vmul.f32 v24, v22  }
0x1f4: {  	v19 =	vsub.f32 $1.500000000e+00, v50;
	v25 =	vmul.f32 v26, v54;
	v18 =	vmul.f32 v21, v18  }
0x1f5: {  	v16 =	vmul.f32 v20, v16;
	v14 =	vsub.f32 $1.500000000e+00, v14;
	v56 =	vmul.f32 v24, v22  }
0x1f6: {  	s6 =	sadd.s32 $0x80, s17;
	v17 =	vmul.f32 v17, v19;
	v57 =	vmul.f32 v26, v25;
	v18 =	vsub.f32 $1.500000000e+00, v18  }
0x1f7: {  	s11 =	sor.u32 $0x70, s6;
	v15 =	vmul.f32 v16, v15;
	v14 =	vmul.f32 v23, v14;
	v58 =	vsub.f32 $1.500000000e+00, v56  }
0x1f8: {  	[tilespmem:s11+$0x15C00] =	vst v9;
	v8 =	vmul.f32 v17, v8;
	v59 =	vsub.f32 $1.500000000e+00, v57;
	v60 =	vmul.f32 v21, v18  }
0x1f9: {  	s2 =	sadd.s32 $0x1, s2;
	[tilespmem:s14+$0xFFFFFFD0] =	vst v15;
	v10 =	vmul.f32 v14, v33;
	v61 =	vmul.f32 v24, v58  }
0x1fa: {  	p0 =	sne.s32 s2, $0x25;
	[tilespmem:s7+$0x15C00] =	vst v8;
	v8 =	vmul.f32 v26, v59;
	v62 =	vmul.f32 v60, v11  }
.Ltmp2:
0x1fb: {  	s31 =	sadd.s32 $0xFFFFFFC0, s6;
	[tilespmem:s10+$0x15C00] =	vst v10;
	v63 =	vmul.f32 v61, v49;
	(pc) =	sbr.rel @p0 .LBB2_2-.Ltmp2, $4  }
0x1fc: {  	s6 =	sadd.s32 $0xFFFFFFE0, s6;
	s7 =	sor.u32 $0x30, s31;
	v8 =	vmul.f32 v8, v12;
	[tilespmem:s16+$0xFFFFFFD0] =	vst v62  }
0x1fd: {  	s0 =	sshll.u32 s0, $0x2;
	s6 =	sor.u32 $0x50, s6;
	[tilespmem:s7+$0x15C00] =	vst v63  }
0x1fe: {  	s0 =	sadd.s32 s3, s0;
	[tilespmem:s6+$0x15C00] =	vst v8  }
0x1ff: {  	[hbm4b:s0+s5] =	stream.linear.scatter [tilespmem:s28], [sflag:$0x6], $0x1000, $0x38;
	[tilespmem:$0x16C00] =	vst v63  }
0x200: {  	s0 =	simm.s32 $0x5  }
0x201: {  	_ =	swait.ge [sflag:s0], $0x1000  }
0x202: {  	[sflag:s0] =	ssyncset.done $0x0  }
0x203: {  	s2 =	simm.s32 $0x6;
	[sflag:s0] =	ssyncadd.s32 $0xFFFFF000  }
0x204: {  	_ =	swait.ge [sflag:s2], $0x1000  }
0x205: {  	s6 =	rddreg [dreg:$0x8]  }
0x206: {  	s31 =	rddreg [dreg:$0x7];
	s6 =	sadd.s32 $0x1, s6  }
0x207: {  	p0 =	sne.s32 s6, s31  }
.Ltmp3:
0x208: {  	_ = 	snop;
	(pc) =	sbr.rel @p0 .LBB2_1-.Ltmp3, $3  }
0x209: {  	_ =	sdelay $0x1  }
0x20a: {  	[sflag:s2] =	ssyncset.done $0x0  }
0x20b: {  	[sflag:s2] =	ssyncadd.s32 $0xFFFFF000  }
0x20c: {  	_ =	sfence.sel $0x180000  }
0x20d: {  	[bflag:$0x0] =	sbarrier.arrive $0xFFFF  }
0x20e: {  	_ =	strace $0x90000047  }
0x20f: {  	s0 =	stileid.u32;
	[bflag:$0x2] =	sbarrier.arrive $0xFFFF  }
0x210: {  	p0 =	sne.s32 s0, $0x0;
	s0 =	rddreg [dreg:$0x4]  }
0x211: {  	s0 =	sadd.s32 @!p0 $0x100000, s0  }
0x212: {  	[sflag:s0] =	ssyncadd.tile.s32 @!p0 $0x1;
	_ =	shalt  }
.Lfunc_end2:
_tile_overlayer_lowered:
.L_overlay_start_2:
0x213: {  	(tag) =	ssettag $0x2  }
0x214: {  	s0 =	rddreg [dreg:$0x0];
	s2 =	stileid.u32  }
0x215: {  	s1 =	rddreg [dreg:$0x1];
	p0 =	sne.s32 s2, $0x0  }
0x216: {  	s3 =	rddreg [dreg:$0x2];
	[bflag:$0x3] =	sbarrier.arrive $0xFFFF;
	s2 =	simm.s32 @!p0 $0x1C07  }
0x217: {  	[timem:s3], [sflag:s2] =	dma.local @!p0 [hbm:s0], s1  }
0x218: {  	s0 =	simm.s32 @!p0 $0x7  }
0x219: {  	_ =	swait.ge @!p0 [sflag:s0], s1  }
0x21a: {  	s1 =	ssub.s32 @!p0 $0x0, s1;
	[sflag:s0] =	ssyncset.done @!p0 $0x0  }
0x21b: {  	[sflag:s0] =	ssyncadd.s32 @!p0 s1  }
0x21c: {  	[bflag:$0x3] =	sbarrier.arrive $0xFFFF  }
0x21d: {  	_ =	shalt  }

</sc_bundles>
